<compile_context>
chip_gen: v7x
topology: tpu7x:2x2x1
jax: 0.10.2.dev20260603
libtpu: 0.0.44.dev20260713+nightly
codegen_flags: <defaults>
</compile_context>

<pallas_src>
import functools

import jax
import jax.numpy as jnp
from jax import lax
from jax.experimental import pallas as pl
from jax.experimental.pallas import tpu as pltpu
from jax.experimental.pallas import tpu_sc as plsc

N = 10000
D = 128
E = 320000
NC = 2
NS = 16
NW = NC * NS
EB = 128
NB0 = 112
NB1 = 46
EPB = NS * (NB0 + NB1)
EP = EPB * EB
NB = 79
EPW = NB * EB
NP = 10240
RPT = NP // NS
R15 = 15 * RPT
NCHUNK = NP // D

_mesh = plsc.VectorSubcoreMesh(core_axis_name="c", subcore_axis_name="s")


@functools.partial(
    pl.kernel,
    out_type=jax.ShapeDtypeStruct((NC, NP), jnp.float32),
    mesh=_mesh,
    compiler_params=pltpu.CompilerParams(needs_layout_passes=False),
    scratch_types=[
        pltpu.VMEM((EPW,), jnp.int32),
        pltpu.VMEM((NP,), jnp.float32),
        pltpu.VMEM((NS, RPT), jnp.float32),
        pltpu.VMEM((RPT,), jnp.float32),
        pltpu.VMEM_SHARED((NS, NP), jnp.float32),
    ],
)
def _deg_kernel(dst_hbm, zeros_hbm, out_hbm, idx_v, hist, slab, comb, stage):
    c = lax.axis_index("c")
    s = lax.axis_index("s")
    pltpu.sync_copy(zeros_hbm, hist)
    base = pl.multiple_of((c * NS + s) * EPW, 8)
    pltpu.sync_copy(dst_hbm.at[pl.ds(base, EPW)], idx_v)
    ones = jnp.ones((16,), jnp.float32)

    def inner(k, carry2):
        idx = idx_v[pl.ds(k * 16, 16)]
        plsc.addupdate_scatter(hist, [idx], ones)
        return carry2

    lax.fori_loop(0, EPW // 16, inner, 0)
    pltpu.sync_copy(hist, stage.at[s])
    plsc.subcore_barrier()
    r0 = pl.multiple_of(s * RPT, 8)
    pltpu.sync_copy(stage.at[:, pl.ds(r0, RPT)], slab)

    def comb_body(j, carry):
        v = slab[0, pl.ds(j * 16, 16)]
        for h in range(1, NS):
            v = v + slab[h, pl.ds(j * 16, 16)]
        comb[pl.ds(j * 16, 16)] = v
        return carry

    lax.fori_loop(0, RPT // 16, comb_body, 0)
    pltpu.sync_copy(comb, out_hbm.at[c, pl.ds(r0, RPT)])


@functools.partial(
    pl.kernel,
    out_type=jax.ShapeDtypeStruct((NC, NP, D), jnp.float32),
    mesh=_mesh,
    scratch_types=[
        pltpu.VMEM((EB,), jnp.int32),
        pltpu.VMEM((EB,), jnp.int32),
        pltpu.VMEM((EB, D), jnp.float32),
        pltpu.VMEM_SHARED((NP, D), jnp.float32),
        pltpu.SemaphoreType.DMA,
    ],
)
def _seg_kernel(src_hbm, dst_hbm, y_hbm, zeros_hbm, out_hbm, si, di, rows, acc, sem):
    c = lax.axis_index("c")
    s = lax.axis_index("s")
    r0 = pl.multiple_of(s * RPT, 8)

    @pl.when(c == 0)
    def _():
        @pl.when(s < NS - 1)
        def _():
            pltpu.sync_copy(y_hbm.at[pl.ds(r0, RPT)], acc.at[pl.ds(r0, RPT)])

        @pl.when(s == NS - 1)
        def _():
            pltpu.sync_copy(y_hbm.at[pl.ds(R15, N - R15)], acc.at[pl.ds(R15, N - R15)])
            pltpu.sync_copy(zeros_hbm.at[pl.ds(N, NP - N)], acc.at[pl.ds(N, NP - N)])

    @pl.when(c != 0)
    def _():
        pltpu.sync_copy(zeros_hbm.at[pl.ds(r0, RPT)], acc.at[pl.ds(r0, RPT)])

    plsc.subcore_barrier()

    def run(base_edge, nblocks):
        def body(j, carry):
            off = pl.multiple_of(base_edge + j * EB, EB)
            pltpu.sync_copy(src_hbm.at[pl.ds(off, EB)], si)
            pltpu.sync_copy(dst_hbm.at[pl.ds(off, EB)], di)
            pltpu.async_copy(y_hbm.at[si], rows, sem).wait()
            pltpu.sync_copy(rows, acc.at[di], add=True)
            return carry

        lax.fori_loop(0, nblocks, body, 0)

    @pl.when(c == 0)
    def _():
        run(pl.multiple_of(s * NB0 * EB, EB), NB0)

    @pl.when(c != 0)
    def _():
        run(pl.multiple_of((NS * NB0 + s * NB1) * EB, EB), NB1)

    plsc.subcore_barrier()
    pltpu.sync_copy(acc.at[pl.ds(r0, RPT)], out_hbm.at[c, pl.ds(r0, RPT)])


def _dis_body(dega_ref, degb_ref, disb_ref):
    deg = 1.0 + dega_ref[0, 0, :] + degb_ref[0, 0, :]
    dis = lax.rsqrt(deg)
    disb_ref[...] = jnp.broadcast_to(dis[None, :], (D, D)).T


def _dense1_body(disb_ref, emb_ref, w1_ref, y1_ref):
    xw = jnp.dot(emb_ref[...], w1_ref[...], preferred_element_type=jnp.float32)
    y1_ref[...] = disb_ref[0:N, :] * xw


def _dense2_body(s1a_ref, s1b_ref, disb_ref, b1_ref, w2_ref, y2_ref):
    dis = disb_ref[0:N, :]
    x2 = jnp.maximum(dis * (s1a_ref[0:N, :] + s1b_ref[0:N, :]) + b1_ref[...], 0.0)
    y2_ref[...] = dis * jnp.dot(x2, w2_ref[...], preferred_element_type=jnp.float32)


def _dense3_body(s2a_ref, s2b_ref, disb_ref, b2_ref, out_ref):
    out_ref[...] = (disb_ref[0:N, :] * (s2a_ref[0:N, :] + s2b_ref[0:N, :])
                    + b2_ref[...])


_f32 = jnp.float32
_nd = jax.ShapeDtypeStruct((N, D), _f32)

_dis_call = pl.pallas_call(
    _dis_body,
    grid=(NCHUNK,),
    in_specs=[
        pl.BlockSpec((1, 1, D), lambda r: (r, 0, 0)),
        pl.BlockSpec((1, 1, D), lambda r: (r, 0, 0)),
    ],
    out_specs=pl.BlockSpec((D, D), lambda r: (r, 0)),
    out_shape=jax.ShapeDtypeStruct((NP, D), _f32),
)


def kernel(prop_edge_index, emb_weight, W1, b1, W2, b2):
    src = prop_edge_index[0].astype(jnp.int32)
    dst = prop_edge_index[1].astype(jnp.int32)
    pad = EP - E
    src_p = jnp.concatenate([src, jnp.zeros((pad,), jnp.int32)])
    dst_p = jnp.concatenate([dst, jnp.full((pad,), N, jnp.int32)])
    zeros1 = jnp.zeros((NP,), _f32)
    zeros_nd = jnp.zeros((NP, D), _f32)

    deg2 = _deg_kernel(dst_p, zeros1)
    dega3 = deg2[0].reshape(NCHUNK, 1, D)
    degb3 = deg2[1].reshape(NCHUNK, 1, D)
    disb = _dis_call(dega3, degb3)

    y1 = pl.pallas_call(_dense1_body, out_shape=_nd)(disb, emb_weight, W1)
    s1 = _seg_kernel(src_p, dst_p, y1, zeros_nd)
    y2 = pl.pallas_call(_dense2_body, out_shape=_nd)(
        s1[0], s1[1], disb, b1.reshape(1, D), W2)
    s2 = _seg_kernel(src_p, dst_p, y2, zeros_nd)
    out = pl.pallas_call(_dense3_body, out_shape=_nd)(
        s2[0], s2[1], disb, b2.reshape(1, D))
    return out

# --- scband reference (transcript-rebuilt; emitter-appended) ---
"""Pipeline reference for scband-gcnencoder-37726992728721 (READ-ONLY COPY).

The authoritative reference and input builder live on the scoring server;
editing this copy changes nothing except your own understanding.
"""

import jax, jax.numpy as jnp
import numpy as np

N_NODES = 10000
N_EMBED = 128
N_HIDDEN = 128
N_EDGES = 320000


def setup_inputs(seed: int = 0) -> dict:
    key = jax.random.key(seed)
    k_e, k_emb, k_w1, k_b1, k_w2, k_b2 = (jax.random.fold_in(key, i) for i in range(6))
    prop_edge_index = jax.random.randint(k_e, (2, N_EDGES), 0, N_NODES, dtype=jnp.int64 if jax.config.jax_enable_x64 else jnp.int32)
    emb_weight = jax.random.normal(k_emb, (N_NODES, N_EMBED), dtype=jnp.float32)
    # Glorot-style init for GCNConv linear weights (PyG default), zeros bias
    lim1 = np.sqrt(6.0 / (N_EMBED + N_HIDDEN))
    W1 = jax.random.uniform(k_w1, (N_EMBED, N_HIDDEN), minval=-lim1, maxval=lim1, dtype=jnp.float32)
    b1 = jnp.zeros((N_HIDDEN,), dtype=jnp.float32)
    lim2 = np.sqrt(6.0 / (N_HIDDEN + N_HIDDEN))
    W2 = jax.random.uniform(k_w2, (N_HIDDEN, N_HIDDEN), minval=-lim2, maxval=lim2, dtype=jnp.float32)
    b2 = jnp.zeros((N_HIDDEN,), dtype=jnp.float32)
    return {"prop_edge_index": prop_edge_index, "emb_weight": emb_weight, "W1": W1, "b1": b1, "W2": W2, "b2": b2}


def _gcn_conv(x, edge_index, W, b, n_nodes):
    # PyG GCNConv: add self-loops, symmetric normalization D^{-1/2} A D^{-1/2}, x @ W, scatter-add, + bias
    src = edge_index[0]
    dst = edge_index[1]
    loop = jnp.arange(n_nodes, dtype=src.dtype)
    src = jnp.concatenate([src, loop])
    dst = jnp.concatenate([dst, loop])
    deg = jnp.zeros((n_nodes,), dtype=x.dtype).at[dst].add(1.0)
    deg_inv_sqrt = jnp.where(deg > 0, 1.0 / jnp.sqrt(deg), 0.0)
    norm = deg_inv_sqrt[src] * deg_inv_sqrt[dst]
    xw = x @ W
    msg = jnp.take(xw, src, axis=0) * norm[:, None]
    out = jnp.zeros((n_nodes, W.shape[1]), dtype=x.dtype).at[dst].add(msg)
    return out + b


def reference(prop_edge_index, emb_weight, W1, b1, W2, b2):
    # forward: x = embedding.weight; x = relu(conv1(x, ei)); dropout(training=False) -> identity; x = conv2(x, ei)
    x = emb_weight
    x = jax.nn.relu(_gcn_conv(x, prop_edge_index, W1, b1, N_NODES))
    # F.dropout with training=False is identity
    x = _gcn_conv(x, prop_edge_index, W2, b2, N_NODES)
    return x

if __name__ == "__main__":
    import jax
    _d = setup_inputs()
    print(jax.jit(kernel)(*tuple(_d.values())))

</pallas_src>

<mosaic_0001>
#map = affine_map<(d0, d1) -> (0)>
#map1 = affine_map<(d0, d1) -> (0, 0)>
#map2 = affine_map<(d0, d1) -> (0, 0, 0)>
module attributes {stable_mosaic.version = 14 : i64} {
  func.func @_seg_kernel(%arg0: i32, %arg1: i32, %arg2: memref<323584xi32, #tpu.memory_space<hbm>>, %arg3: memref<323584xi32, #tpu.memory_space<hbm>>, %arg4: memref<10000x128xf32, #tpu.memory_space<hbm>>, %arg5: memref<10240x128xf32, #tpu.memory_space<hbm>>, %arg6: memref<2x10240x128xf32, #tpu.memory_space<hbm>>, %arg7: memref<128xi32, #tpu.memory_space<vmem>>, %arg8: memref<128xi32, #tpu.memory_space<vmem>>, %arg9: memref<128x128xf32, #tpu.memory_space<vmem>>, %arg10: memref<10240x128xf32, #tpu.memory_space<vmem_shared>>, %arg11: memref<!tpu.dma_semaphore, #tpu.memory_space<semaphore_mem>>) attributes {dimension_semantics = [#tpu.dimension_semantics<core_parallel>, #tpu.dimension_semantics<subcore_parallel>], iteration_bounds = array<i64: 2, 16>, scalar_prefetch = 0 : i64, scratch_operands = 5 : i64, tpu.core_type = #tpu.core_type<sc_vector_subcore>, window_params = [{transform_indices = #map}, {transform_indices = #map}, {transform_indices = #map1}, {transform_indices = #map1}, {transform_indices = #map2}]} {
    %mul3A = arith.constant 640 : i32
    %mul3A_0 = arith.muli %arg1, %mul3A : i32
    %multiple_of3A = tpu.assume_multiple %mul3A_0, 8 : i32
    %eq3A = arith.constant 0 : i32
    %eq3A_1 = arith.cmpi eq, %arg0, %eq3A : i32
    %convert_element_type3A = arith.extui %eq3A_1 : i1 to i32
    %cond3A = arith.constant 0 : i32
    %cond3A_2 = arith.cmpi ne, %convert_element_type3A, %cond3A : i32
    scf.if %cond3A_2 {
      %lt3A = arith.constant 15 : i32
      %lt3A_18 = arith.cmpi slt, %arg1, %lt3A : i32
      %convert_element_type3A_19 = arith.extui %lt3A_18 : i1 to i32
      %cond3A_20 = arith.constant 0 : i32
      %cond3A_21 = arith.cmpi ne, %convert_element_type3A_19, %cond3A_20 : i32
      scf.if %cond3A_21 {
        "tpu.region"() ({
          %run_scoped3A = tpu.sem_alloc : memref<!tpu.dma_semaphore, #tpu.memory_space<semaphore_mem>>
          %dma_start3A = arith.constant 0 : i32
          %dma_start3A_27 = tpu.memref_slice %arg10[%multiple_of3A, %dma_start3A] : memref<10240x128xf32, #tpu.memory_space<vmem_shared>> -> memref<640x128xf32, #tpu.memory_space<vmem_shared>>
          %dma_start3A_28 = arith.constant 0 : i32
          %dma_start3A_29 = tpu.memref_slice %arg4[%multiple_of3A, %dma_start3A_28] : memref<10000x128xf32, #tpu.memory_space<hbm>> -> memref<640x128xf32, #tpu.memory_space<hbm>>
          tpu.enqueue_dma source(%dma_start3A_29 : memref<640x128xf32, #tpu.memory_space<hbm>>) target(%dma_start3A_27 : memref<640x128xf32, #tpu.memory_space<vmem_shared>>) target_semaphore(%run_scoped3A : memref<!tpu.dma_semaphore, #tpu.memory_space<semaphore_mem>>)
          %dma_wait3A = arith.constant 0 : i32
          %dma_wait3A_30 = tpu.memref_slice %arg10[%multiple_of3A, %dma_wait3A] : memref<10240x128xf32, #tpu.memory_space<vmem_shared>> -> memref<640x128xf32, #tpu.memory_space<vmem_shared>>
          %dma_wait3A_31 = arith.constant 0 : i32
          %dma_wait3A_32 = tpu.memref_slice %arg4[%multiple_of3A, %dma_wait3A_31] : memref<10000x128xf32, #tpu.memory_space<hbm>> -> memref<640x128xf32, #tpu.memory_space<hbm>>
          tpu.wait_dma2 semaphore(%run_scoped3A : memref<!tpu.dma_semaphore, #tpu.memory_space<semaphore_mem>>) src(%dma_wait3A_32 : memref<640x128xf32, #tpu.memory_space<hbm>>) dst(%dma_wait3A_30 : memref<640x128xf32, #tpu.memory_space<vmem_shared>>)
          tpu.yield
        }) : () -> ()
      } else {
      }
      %eq3A_22 = arith.constant 15 : i32
      %eq3A_23 = arith.cmpi eq, %arg1, %eq3A_22 : i32
      %convert_element_type3A_24 = arith.extui %eq3A_23 : i1 to i32
      %cond3A_25 = arith.constant 0 : i32
      %cond3A_26 = arith.cmpi ne, %convert_element_type3A_24, %cond3A_25 : i32
      scf.if %cond3A_26 {
        "tpu.region"() ({
          %run_scoped3A = tpu.sem_alloc : memref<!tpu.dma_semaphore, #tpu.memory_space<semaphore_mem>>
          %dma_start3A = arith.constant 9600 : i32
          %dma_start3A_27 = arith.constant 0 : i32
          %dma_start3A_28 = tpu.memref_slice %arg10[%dma_start3A, %dma_start3A_27] : memref<10240x128xf32, #tpu.memory_space<vmem_shared>> -> memref<400x128xf32, #tpu.memory_space<vmem_shared>>
          %dma_start3A_29 = arith.constant 9600 : i32
          %dma_start3A_30 = arith.constant 0 : i32
          %dma_start3A_31 = tpu.memref_slice %arg4[%dma_start3A_29, %dma_start3A_30] : memref<10000x128xf32, #tpu.memory_space<hbm>> -> memref<400x128xf32, #tpu.memory_space<hbm>>
          tpu.enqueue_dma source(%dma_start3A_31 : memref<400x128xf32, #tpu.memory_space<hbm>>) target(%dma_start3A_28 : memref<400x128xf32, #tpu.memory_space<vmem_shared>>) target_semaphore(%run_scoped3A : memref<!tpu.dma_semaphore, #tpu.memory_space<semaphore_mem>>)
          %dma_wait3A = arith.constant 9600 : i32
          %dma_wait3A_32 = arith.constant 0 : i32
          %dma_wait3A_33 = tpu.memref_slice %arg10[%dma_wait3A, %dma_wait3A_32] : memref<10240x128xf32, #tpu.memory_space<vmem_shared>> -> memref<400x128xf32, #tpu.memory_space<vmem_shared>>
          %dma_wait3A_34 = arith.constant 9600 : i32
          %dma_wait3A_35 = arith.constant 0 : i32
          %dma_wait3A_36 = tpu.memref_slice %arg4[%dma_wait3A_34, %dma_wait3A_35] : memref<10000x128xf32, #tpu.memory_space<hbm>> -> memref<400x128xf32, #tpu.memory_space<hbm>>
          tpu.wait_dma2 semaphore(%run_scoped3A : memref<!tpu.dma_semaphore, #tpu.memory_space<semaphore_mem>>) src(%dma_wait3A_36 : memref<400x128xf32, #tpu.memory_space<hbm>>) dst(%dma_wait3A_33 : memref<400x128xf32, #tpu.memory_space<vmem_shared>>)
          tpu.yield
        }) : () -> ()
        "tpu.region"() ({
          %run_scoped3A = tpu.sem_alloc : memref<!tpu.dma_semaphore, #tpu.memory_space<semaphore_mem>>
          %dma_start3A = arith.constant 10000 : i32
          %dma_start3A_27 = arith.constant 0 : i32
          %dma_start3A_28 = tpu.memref_slice %arg10[%dma_start3A, %dma_start3A_27] : memref<10240x128xf32, #tpu.memory_space<vmem_shared>> -> memref<240x128xf32, #tpu.memory_space<vmem_shared>>
          %dma_start3A_29 = arith.constant 10000 : i32
          %dma_start3A_30 = arith.constant 0 : i32
          %dma_start3A_31 = tpu.memref_slice %arg5[%dma_start3A_29, %dma_start3A_30] : memref<10240x128xf32, #tpu.memory_space<hbm>> -> memref<240x128xf32, #tpu.memory_space<hbm>>
          tpu.enqueue_dma source(%dma_start3A_31 : memref<240x128xf32, #tpu.memory_space<hbm>>) target(%dma_start3A_28 : memref<240x128xf32, #tpu.memory_space<vmem_shared>>) target_semaphore(%run_scoped3A : memref<!tpu.dma_semaphore, #tpu.memory_space<semaphore_mem>>)
          %dma_wait3A = arith.constant 10000 : i32
          %dma_wait3A_32 = arith.constant 0 : i32
          %dma_wait3A_33 = tpu.memref_slice %arg10[%dma_wait3A, %dma_wait3A_32] : memref<10240x128xf32, #tpu.memory_space<vmem_shared>> -> memref<240x128xf32, #tpu.memory_space<vmem_shared>>
          %dma_wait3A_34 = arith.constant 10000 : i32
          %dma_wait3A_35 = arith.constant 0 : i32
          %dma_wait3A_36 = tpu.memref_slice %arg5[%dma_wait3A_34, %dma_wait3A_35] : memref<10240x128xf32, #tpu.memory_space<hbm>> -> memref<240x128xf32, #tpu.memory_space<hbm>>
          tpu.wait_dma2 semaphore(%run_scoped3A : memref<!tpu.dma_semaphore, #tpu.memory_space<semaphore_mem>>) src(%dma_wait3A_36 : memref<240x128xf32, #tpu.memory_space<hbm>>) dst(%dma_wait3A_33 : memref<240x128xf32, #tpu.memory_space<vmem_shared>>)
          tpu.yield
        }) : () -> ()
      } else {
      }
    } else {
    }
    %ne3A = arith.constant 0 : i32
    %ne3A_3 = arith.cmpi ne, %arg0, %ne3A : i32
    %convert_element_type3A_4 = arith.extui %ne3A_3 : i1 to i32
    %cond3A_5 = arith.constant 0 : i32
    %cond3A_6 = arith.cmpi ne, %convert_element_type3A_4, %cond3A_5 : i32
    scf.if %cond3A_6 {
      "tpu.region"() ({
        %run_scoped3A = tpu.sem_alloc : memref<!tpu.dma_semaphore, #tpu.memory_space<semaphore_mem>>
        %dma_start3A = arith.constant 0 : i32
        %dma_start3A_18 = tpu.memref_slice %arg10[%multiple_of3A, %dma_start3A] : memref<10240x128xf32, #tpu.memory_space<vmem_shared>> -> memref<640x128xf32, #tpu.memory_space<vmem_shared>>
        %dma_start3A_19 = arith.constant 0 : i32
        %dma_start3A_20 = tpu.memref_slice %arg5[%multiple_of3A, %dma_start3A_19] : memref<10240x128xf32, #tpu.memory_space<hbm>> -> memref<640x128xf32, #tpu.memory_space<hbm>>
        tpu.enqueue_dma source(%dma_start3A_20 : memref<640x128xf32, #tpu.memory_space<hbm>>) target(%dma_start3A_18 : memref<640x128xf32, #tpu.memory_space<vmem_shared>>) target_semaphore(%run_scoped3A : memref<!tpu.dma_semaphore, #tpu.memory_space<semaphore_mem>>)
        %dma_wait3A = arith.constant 0 : i32
        %dma_wait3A_21 = tpu.memref_slice %arg10[%multiple_of3A, %dma_wait3A] : memref<10240x128xf32, #tpu.memory_space<vmem_shared>> -> memref<640x128xf32, #tpu.memory_space<vmem_shared>>
        %dma_wait3A_22 = arith.constant 0 : i32
        %dma_wait3A_23 = tpu.memref_slice %arg5[%multiple_of3A, %dma_wait3A_22] : memref<10240x128xf32, #tpu.memory_space<hbm>> -> memref<640x128xf32, #tpu.memory_space<hbm>>
        tpu.wait_dma2 semaphore(%run_scoped3A : memref<!tpu.dma_semaphore, #tpu.memory_space<semaphore_mem>>) src(%dma_wait3A_23 : memref<640x128xf32, #tpu.memory_space<hbm>>) dst(%dma_wait3A_21 : memref<640x128xf32, #tpu.memory_space<vmem_shared>>)
        tpu.yield
      }) : () -> ()
    } else {
    }
    %barrier3A = arith.constant 0 : index
    tpu.barrier barrier_id(%barrier3A)
    %eq3A_7 = arith.constant 0 : i32
    %eq3A_8 = arith.cmpi eq, %arg0, %eq3A_7 : i32
    %convert_element_type3A_9 = arith.extui %eq3A_8 : i1 to i32
    %cond3A_10 = arith.constant 0 : i32
    %cond3A_11 = arith.cmpi ne, %convert_element_type3A_9, %cond3A_10 : i32
    scf.if %cond3A_11 {
      %mul3A_18 = arith.constant 112 : i32
      %mul3A_19 = arith.muli %arg1, %mul3A_18 : i32
      %mul3A_20 = arith.constant 128 : i32
      %mul3A_21 = arith.muli %mul3A_19, %mul3A_20 : i32
      %multiple_of3A_22 = tpu.assume_multiple %mul3A_21, 128 : i32
      %scan3A = arith.constant 0 : i32
      %scan3A_23 = arith.constant 0 : i32
      %scan3A_24 = arith.constant 112 : i32
      %scan3A_25 = arith.addi %scan3A_23, %scan3A_24 : i32
      %scan3A_26 = arith.constant 1 : i32
      scf.for %scan3A_28 = %scan3A_23 to %scan3A_25 step %scan3A_26  : i32 {
        %mul3A_29 = arith.constant 128 : i32
        %mul3A_30 = arith.muli %scan3A_28, %mul3A_29 : i32
        %add3A = arith.addi %multiple_of3A_22, %mul3A_30 : i32
        %multiple_of3A_31 = tpu.assume_multiple %add3A, 128 : i32
        "tpu.region"() ({
          %run_scoped3A = tpu.sem_alloc : memref<!tpu.dma_semaphore, #tpu.memory_space<semaphore_mem>>
          %dma_start3A_36 = tpu.memref_slice %arg2[%multiple_of3A_31] : memref<323584xi32, #tpu.memory_space<hbm>> -> memref<128xi32, #tpu.memory_space<hbm>>
          %dma_start3A_37 = tpu.memref_slice %arg2[%multiple_of3A_31] : memref<323584xi32, #tpu.memory_space<hbm>> -> memref<128xi32, #tpu.memory_space<hbm>>
          tpu.enqueue_dma source(%dma_start3A_37 : memref<128xi32, #tpu.memory_space<hbm>>) target(%arg7 : memref<128xi32, #tpu.memory_space<vmem>>) target_semaphore(%run_scoped3A : memref<!tpu.dma_semaphore, #tpu.memory_space<semaphore_mem>>)
          %dma_wait3A_38 = tpu.memref_slice %arg2[%multiple_of3A_31] : memref<323584xi32, #tpu.memory_space<hbm>> -> memref<128xi32, #tpu.memory_space<hbm>>
          %dma_wait3A_39 = tpu.memref_slice %arg2[%multiple_of3A_31] : memref<323584xi32, #tpu.memory_space<hbm>> -> memref<128xi32, #tpu.memory_space<hbm>>
          tpu.wait_dma2 semaphore(%run_scoped3A : memref<!tpu.dma_semaphore, #tpu.memory_space<semaphore_mem>>) src(%dma_wait3A_39 : memref<128xi32, #tpu.memory_space<hbm>>) dst(%arg7 : memref<128xi32, #tpu.memory_space<vmem>>)
          tpu.yield
        }) : () -> ()
        "tpu.region"() ({
          %run_scoped3A = tpu.sem_alloc : memref<!tpu.dma_semaphore, #tpu.memory_space<semaphore_mem>>
          %dma_start3A_36 = tpu.memref_slice %arg3[%multiple_of3A_31] : memref<323584xi32, #tpu.memory_space<hbm>> -> memref<128xi32, #tpu.memory_space<hbm>>
          %dma_start3A_37 = tpu.memref_slice %arg3[%multiple_of3A_31] : memref<323584xi32, #tpu.memory_space<hbm>> -> memref<128xi32, #tpu.memory_space<hbm>>
          tpu.enqueue_dma source(%dma_start3A_37 : memref<128xi32, #tpu.memory_space<hbm>>) target(%arg8 : memref<128xi32, #tpu.memory_space<vmem>>) target_semaphore(%run_scoped3A : memref<!tpu.dma_semaphore, #tpu.memory_space<semaphore_mem>>)
          %dma_wait3A_38 = tpu.memref_slice %arg3[%multiple_of3A_31] : memref<323584xi32, #tpu.memory_space<hbm>> -> memref<128xi32, #tpu.memory_space<hbm>>
          %dma_wait3A_39 = tpu.memref_slice %arg3[%multiple_of3A_31] : memref<323584xi32, #tpu.memory_space<hbm>> -> memref<128xi32, #tpu.memory_space<hbm>>
          tpu.wait_dma2 semaphore(%run_scoped3A : memref<!tpu.dma_semaphore, #tpu.memory_space<semaphore_mem>>) src(%dma_wait3A_39 : memref<128xi32, #tpu.memory_space<hbm>>) dst(%arg8 : memref<128xi32, #tpu.memory_space<vmem>>)
          tpu.yield
        }) : () -> ()
        %dma_start3A = arith.constant 0 : i32
        %dma_start3A_32 = arith.constant 0 : i32
        %dma_start3A_33 = tpu.memref_slice %arg4[%dma_start3A, %dma_start3A_32] : memref<10000x128xf32, #tpu.memory_space<hbm>> -> memref<10000x128xf32, #tpu.memory_space<hbm>>
        tpu.enqueue_indirect_dma source(%dma_start3A_33 : memref<10000x128xf32, #tpu.memory_space<hbm>>) target(%arg9 : memref<128x128xf32, #tpu.memory_space<vmem>>) offsets(%arg7 : memref<128xi32, #tpu.memory_space<vmem>>) semaphore(%arg11 : memref<!tpu.dma_semaphore, #tpu.memory_space<semaphore_mem>>)
        %dma_wait3A = arith.constant 0 : i32
        %dma_wait3A_34 = arith.constant 0 : i32
        %dma_wait3A_35 = tpu.memref_slice %arg4[%dma_wait3A, %dma_wait3A_34] : memref<10000x128xf32, #tpu.memory_space<hbm>> -> memref<10000x128xf32, #tpu.memory_space<hbm>>
        tpu.wait_indirect_dma semaphore(%arg11 : memref<!tpu.dma_semaphore, #tpu.memory_space<semaphore_mem>>) src(%dma_wait3A_35 : memref<10000x128xf32, #tpu.memory_space<hbm>>) dst(%arg9 : memref<128x128xf32, #tpu.memory_space<vmem>>)
        "tpu.region"() ({
          %run_scoped3A = tpu.sem_alloc : memref<!tpu.dma_semaphore, #tpu.memory_space<semaphore_mem>>
          %dma_start3A_36 = arith.constant 0 : i32
          %dma_start3A_37 = arith.constant 0 : i32
          %dma_start3A_38 = tpu.memref_slice %arg10[%dma_start3A_36, %dma_start3A_37] : memref<10240x128xf32, #tpu.memory_space<vmem_shared>> -> memref<10240x128xf32, #tpu.memory_space<vmem_shared>>
          tpu.enqueue_indirect_dma source(%arg9 : memref<128x128xf32, #tpu.memory_space<vmem>>) target(%dma_start3A_38 : memref<10240x128xf32, #tpu.memory_space<vmem_shared>>) offsets(%arg8 : memref<128xi32, #tpu.memory_space<vmem>>) semaphore(%run_scoped3A : memref<!tpu.dma_semaphore, #tpu.memory_space<semaphore_mem>>) {add = true}
          %dma_wait3A_39 = arith.constant 0 : i32
          %dma_wait3A_40 = arith.constant 0 : i32
          %dma_wait3A_41 = tpu.memref_slice %arg10[%dma_wait3A_39, %dma_wait3A_40] : memref<10240x128xf32, #tpu.memory_space<vmem_shared>> -> memref<10240x128xf32, #tpu.memory_space<vmem_shared>>
          tpu.wait_indirect_dma semaphore(%run_scoped3A : memref<!tpu.dma_semaphore, #tpu.memory_space<semaphore_mem>>) src(%arg9 : memref<128x128xf32, #tpu.memory_space<vmem>>) dst(%dma_wait3A_41 : memref<10240x128xf32, #tpu.memory_space<vmem_shared>>)
          tpu.yield
        }) : () -> ()
      }
      %scan3A_27 = arith.constant 112 : i32
    } else {
    }
    %ne3A_12 = arith.constant 0 : i32
    %ne3A_13 = arith.cmpi ne, %arg0, %ne3A_12 : i32
    %convert_element_type3A_14 = arith.extui %ne3A_13 : i1 to i32
    %cond3A_15 = arith.constant 0 : i32
    %cond3A_16 = arith.cmpi ne, %convert_element_type3A_14, %cond3A_15 : i32
    scf.if %cond3A_16 {
      %mul3A_18 = arith.constant 46 : i32
      %mul3A_19 = arith.muli %arg1, %mul3A_18 : i32
      %add3A = arith.constant 1792 : i32
      %add3A_20 = arith.addi %add3A, %mul3A_19 : i32
      %mul3A_21 = arith.constant 128 : i32
      %mul3A_22 = arith.muli %add3A_20, %mul3A_21 : i32
      %multiple_of3A_23 = tpu.assume_multiple %mul3A_22, 128 : i32
      %scan3A = arith.constant 0 : i32
      %scan3A_24 = arith.constant 0 : i32
      %scan3A_25 = arith.constant 46 : i32
      %scan3A_26 = arith.addi %scan3A_24, %scan3A_25 : i32
      %scan3A_27 = arith.constant 1 : i32
      scf.for %scan3A_29 = %scan3A_24 to %scan3A_26 step %scan3A_27  : i32 {
        %mul3A_30 = arith.constant 128 : i32
        %mul3A_31 = arith.muli %scan3A_29, %mul3A_30 : i32
        %add3A_32 = arith.addi %multiple_of3A_23, %mul3A_31 : i32
        %multiple_of3A_33 = tpu.assume_multiple %add3A_32, 128 : i32
        "tpu.region"() ({
          %run_scoped3A = tpu.sem_alloc : memref<!tpu.dma_semaphore, #tpu.memory_space<semaphore_mem>>
          %dma_start3A_38 = tpu.memref_slice %arg2[%multiple_of3A_33] : memref<323584xi32, #tpu.memory_space<hbm>> -> memref<128xi32, #tpu.memory_space<hbm>>
          %dma_start3A_39 = tpu.memref_slice %arg2[%multiple_of3A_33] : memref<323584xi32, #tpu.memory_space<hbm>> -> memref<128xi32, #tpu.memory_space<hbm>>
          tpu.enqueue_dma source(%dma_start3A_39 : memref<128xi32, #tpu.memory_space<hbm>>) target(%arg7 : memref<128xi32, #tpu.memory_space<vmem>>) target_semaphore(%run_scoped3A : memref<!tpu.dma_semaphore, #tpu.memory_space<semaphore_mem>>)
          %dma_wait3A_40 = tpu.memref_slice %arg2[%multiple_of3A_33] : memref<323584xi32, #tpu.memory_space<hbm>> -> memref<128xi32, #tpu.memory_space<hbm>>
          %dma_wait3A_41 = tpu.memref_slice %arg2[%multiple_of3A_33] : memref<323584xi32, #tpu.memory_space<hbm>> -> memref<128xi32, #tpu.memory_space<hbm>>
          tpu.wait_dma2 semaphore(%run_scoped3A : memref<!tpu.dma_semaphore, #tpu.memory_space<semaphore_mem>>) src(%dma_wait3A_41 : memref<128xi32, #tpu.memory_space<hbm>>) dst(%arg7 : memref<128xi32, #tpu.memory_space<vmem>>)
          tpu.yield
        }) : () -> ()
        "tpu.region"() ({
          %run_scoped3A = tpu.sem_alloc : memref<!tpu.dma_semaphore, #tpu.memory_space<semaphore_mem>>
          %dma_start3A_38 = tpu.memref_slice %arg3[%multiple_of3A_33] : memref<323584xi32, #tpu.memory_space<hbm>> -> memref<128xi32, #tpu.memory_space<hbm>>
          %dma_start3A_39 = tpu.memref_slice %arg3[%multiple_of3A_33] : memref<323584xi32, #tpu.memory_space<hbm>> -> memref<128xi32, #tpu.memory_space<hbm>>
          tpu.enqueue_dma source(%dma_start3A_39 : memref<128xi32, #tpu.memory_space<hbm>>) target(%arg8 : memref<128xi32, #tpu.memory_space<vmem>>) target_semaphore(%run_scoped3A : memref<!tpu.dma_semaphore, #tpu.memory_space<semaphore_mem>>)
          %dma_wait3A_40 = tpu.memref_slice %arg3[%multiple_of3A_33] : memref<323584xi32, #tpu.memory_space<hbm>> -> memref<128xi32, #tpu.memory_space<hbm>>
          %dma_wait3A_41 = tpu.memref_slice %arg3[%multiple_of3A_33] : memref<323584xi32, #tpu.memory_space<hbm>> -> memref<128xi32, #tpu.memory_space<hbm>>
          tpu.wait_dma2 semaphore(%run_scoped3A : memref<!tpu.dma_semaphore, #tpu.memory_space<semaphore_mem>>) src(%dma_wait3A_41 : memref<128xi32, #tpu.memory_space<hbm>>) dst(%arg8 : memref<128xi32, #tpu.memory_space<vmem>>)
          tpu.yield
        }) : () -> ()
        %dma_start3A = arith.constant 0 : i32
        %dma_start3A_34 = arith.constant 0 : i32
        %dma_start3A_35 = tpu.memref_slice %arg4[%dma_start3A, %dma_start3A_34] : memref<10000x128xf32, #tpu.memory_space<hbm>> -> memref<10000x128xf32, #tpu.memory_space<hbm>>
        tpu.enqueue_indirect_dma source(%dma_start3A_35 : memref<10000x128xf32, #tpu.memory_space<hbm>>) target(%arg9 : memref<128x128xf32, #tpu.memory_space<vmem>>) offsets(%arg7 : memref<128xi32, #tpu.memory_space<vmem>>) semaphore(%arg11 : memref<!tpu.dma_semaphore, #tpu.memory_space<semaphore_mem>>)
        %dma_wait3A = arith.constant 0 : i32
        %dma_wait3A_36 = arith.constant 0 : i32
        %dma_wait3A_37 = tpu.memref_slice %arg4[%dma_wait3A, %dma_wait3A_36] : memref<10000x128xf32, #tpu.memory_space<hbm>> -> memref<10000x128xf32, #tpu.memory_space<hbm>>
        tpu.wait_indirect_dma semaphore(%arg11 : memref<!tpu.dma_semaphore, #tpu.memory_space<semaphore_mem>>) src(%dma_wait3A_37 : memref<10000x128xf32, #tpu.memory_space<hbm>>) dst(%arg9 : memref<128x128xf32, #tpu.memory_space<vmem>>)
        "tpu.region"() ({
          %run_scoped3A = tpu.sem_alloc : memref<!tpu.dma_semaphore, #tpu.memory_space<semaphore_mem>>
          %dma_start3A_38 = arith.constant 0 : i32
          %dma_start3A_39 = arith.constant 0 : i32
          %dma_start3A_40 = tpu.memref_slice %arg10[%dma_start3A_38, %dma_start3A_39] : memref<10240x128xf32, #tpu.memory_space<vmem_shared>> -> memref<10240x128xf32, #tpu.memory_space<vmem_shared>>
          tpu.enqueue_indirect_dma source(%arg9 : memref<128x128xf32, #tpu.memory_space<vmem>>) target(%dma_start3A_40 : memref<10240x128xf32, #tpu.memory_space<vmem_shared>>) offsets(%arg8 : memref<128xi32, #tpu.memory_space<vmem>>) semaphore(%run_scoped3A : memref<!tpu.dma_semaphore, #tpu.memory_space<semaphore_mem>>) {add = true}
          %dma_wait3A_41 = arith.constant 0 : i32
          %dma_wait3A_42 = arith.constant 0 : i32
          %dma_wait3A_43 = tpu.memref_slice %arg10[%dma_wait3A_41, %dma_wait3A_42] : memref<10240x128xf32, #tpu.memory_space<vmem_shared>> -> memref<10240x128xf32, #tpu.memory_space<vmem_shared>>
          tpu.wait_indirect_dma semaphore(%run_scoped3A : memref<!tpu.dma_semaphore, #tpu.memory_space<semaphore_mem>>) src(%arg9 : memref<128x128xf32, #tpu.memory_space<vmem>>) dst(%dma_wait3A_43 : memref<10240x128xf32, #tpu.memory_space<vmem_shared>>)
          tpu.yield
        }) : () -> ()
      }
      %scan3A_28 = arith.constant 46 : i32
    } else {
    }
    %barrier3A_17 = arith.constant 0 : index
    tpu.barrier barrier_id(%barrier3A_17)
    "tpu.region"() ({
      %run_scoped3A = tpu.sem_alloc : memref<!tpu.dma_semaphore, #tpu.memory_space<semaphore_mem>>
      %dma_start3A = arith.constant 0 : i32
      %dma_start3A_18 = tpu.memref_slice %arg6[%arg0, %multiple_of3A, %dma_start3A] : memref<2x10240x128xf32, #tpu.memory_space<hbm>> -> memref<1x640x128xf32, #tpu.memory_space<hbm>>
      %dma_start3A_19 = tpu.memref_squeeze %dma_start3A_18 : memref<1x640x128xf32, #tpu.memory_space<hbm>> -> memref<640x128xf32, #tpu.memory_space<hbm>>
      %dma_start3A_20 = arith.constant 0 : i32
      %dma_start3A_21 = tpu.memref_slice %arg10[%multiple_of3A, %dma_start3A_20] : memref<10240x128xf32, #tpu.memory_space<vmem_shared>> -> memref<640x128xf32, #tpu.memory_space<vmem_shared>>
      tpu.enqueue_dma source(%dma_start3A_21 : memref<640x128xf32, #tpu.memory_space<vmem_shared>>) target(%dma_start3A_19 : memref<640x128xf32, #tpu.memory_space<hbm>>) target_semaphore(%run_scoped3A : memref<!tpu.dma_semaphore, #tpu.memory_space<semaphore_mem>>)
      %dma_wait3A = arith.constant 0 : i32
      %dma_wait3A_22 = tpu.memref_slice %arg6[%arg0, %multiple_of3A, %dma_wait3A] : memref<2x10240x128xf32, #tpu.memory_space<hbm>> -> memref<1x640x128xf32, #tpu.memory_space<hbm>>
      %dma_wait3A_23 = tpu.memref_squeeze %dma_wait3A_22 : memref<1x640x128xf32, #tpu.memory_space<hbm>> -> memref<640x128xf32, #tpu.memory_space<hbm>>
      %dma_wait3A_24 = arith.constant 0 : i32
      %dma_wait3A_25 = tpu.memref_slice %arg10[%multiple_of3A, %dma_wait3A_24] : memref<10240x128xf32, #tpu.memory_space<vmem_shared>> -> memref<640x128xf32, #tpu.memory_space<vmem_shared>>
      tpu.wait_dma2 semaphore(%run_scoped3A : memref<!tpu.dma_semaphore, #tpu.memory_space<semaphore_mem>>) src(%dma_wait3A_25 : memref<640x128xf32, #tpu.memory_space<vmem_shared>>) dst(%dma_wait3A_23 : memref<640x128xf32, #tpu.memory_space<hbm>>)
      tpu.yield
    }) : () -> ()
    return
  }
}

#map = affine_map<(d0, d1) -> (0)>
#map1 = affine_map<(d0, d1) -> (0, 0)>
module attributes {stable_mosaic.version = 14 : i64} {
  func.func @_deg_kernel(%arg0: i32, %arg1: i32, %arg2: memref<323584xi32, #tpu.memory_space<hbm>>, %arg3: memref<10240xf32, #tpu.memory_space<hbm>>, %arg4: memref<2x10240xf32, #tpu.memory_space<hbm>>, %arg5: memref<10112xi32, #tpu.memory_space<vmem>>, %arg6: memref<10240xf32, #tpu.memory_space<vmem>>, %arg7: memref<16x640xf32, #tpu.memory_space<vmem>>, %arg8: memref<640xf32, #tpu.memory_space<vmem>>, %arg9: memref<16x10240xf32, #tpu.memory_space<vmem_shared>>) attributes {dimension_semantics = [#tpu.dimension_semantics<core_parallel>, #tpu.dimension_semantics<subcore_parallel>], iteration_bounds = array<i64: 2, 16>, scalar_prefetch = 0 : i64, scratch_operands = 5 : i64, tpu.core_type = #tpu.core_type<sc_vector_subcore>, window_params = [{transform_indices = #map}, {transform_indices = #map}, {transform_indices = #map1}]} {
    "tpu.region"() ({
      %run_scoped3A = tpu.sem_alloc : memref<!tpu.dma_semaphore, #tpu.memory_space<semaphore_mem>>
      tpu.enqueue_dma source(%arg3 : memref<10240xf32, #tpu.memory_space<hbm>>) target(%arg6 : memref<10240xf32, #tpu.memory_space<vmem>>) target_semaphore(%run_scoped3A : memref<!tpu.dma_semaphore, #tpu.memory_space<semaphore_mem>>)
      tpu.wait_dma2 semaphore(%run_scoped3A : memref<!tpu.dma_semaphore, #tpu.memory_space<semaphore_mem>>) src(%arg3 : memref<10240xf32, #tpu.memory_space<hbm>>) dst(%arg6 : memref<10240xf32, #tpu.memory_space<vmem>>)
      tpu.yield
    }) : () -> ()
    %mul3A = arith.constant 16 : i32
    %mul3A_0 = arith.muli %arg0, %mul3A : i32
    %add3A = arith.addi %mul3A_0, %arg1 : i32
    %mul3A_1 = arith.constant 10112 : i32
    %mul3A_2 = arith.muli %add3A, %mul3A_1 : i32
    %multiple_of3A = tpu.assume_multiple %mul3A_2, 8 : i32
    "tpu.region"() ({
      %run_scoped3A = tpu.sem_alloc : memref<!tpu.dma_semaphore, #tpu.memory_space<semaphore_mem>>
      %dma_start3A = tpu.memref_slice %arg2[%multiple_of3A] : memref<323584xi32, #tpu.memory_space<hbm>> -> memref<10112xi32, #tpu.memory_space<hbm>>
      %dma_start3A_18 = tpu.memref_slice %arg2[%multiple_of3A] : memref<323584xi32, #tpu.memory_space<hbm>> -> memref<10112xi32, #tpu.memory_space<hbm>>
      tpu.enqueue_dma source(%dma_start3A_18 : memref<10112xi32, #tpu.memory_space<hbm>>) target(%arg5 : memref<10112xi32, #tpu.memory_space<vmem>>) target_semaphore(%run_scoped3A : memref<!tpu.dma_semaphore, #tpu.memory_space<semaphore_mem>>)
      %dma_wait3A = tpu.memref_slice %arg2[%multiple_of3A] : memref<323584xi32, #tpu.memory_space<hbm>> -> memref<10112xi32, #tpu.memory_space<hbm>>
      %dma_wait3A_19 = tpu.memref_slice %arg2[%multiple_of3A] : memref<323584xi32, #tpu.memory_space<hbm>> -> memref<10112xi32, #tpu.memory_space<hbm>>
      tpu.wait_dma2 semaphore(%run_scoped3A : memref<!tpu.dma_semaphore, #tpu.memory_space<semaphore_mem>>) src(%dma_wait3A_19 : memref<10112xi32, #tpu.memory_space<hbm>>) dst(%arg5 : memref<10112xi32, #tpu.memory_space<vmem>>)
      tpu.yield
    }) : () -> ()
    %broadcast_in_dim3A = arith.constant 1.000000e+00 : f32
    %broadcast_in_dim3A_3 = vector.broadcast %broadcast_in_dim3A : f32 to vector<16xf32>
    %scan3A = arith.constant 0 : i32
    %scan3A_4 = arith.constant 0 : i32
    %scan3A_5 = arith.constant 632 : i32
    %scan3A_6 = arith.addi %scan3A_4, %scan3A_5 : i32
    %scan3A_7 = arith.constant 1 : i32
    scf.for %scan3A_18 = %scan3A_4 to %scan3A_6 step %scan3A_7  : i32 {
      %mul3A_19 = arith.constant 16 : i32
      %mul3A_20 = arith.muli %scan3A_18, %mul3A_19 : i32
      %get3A = arith.index_cast %mul3A_20 : i32 to index
      %get3A_21 = tpu.vector_load %arg5[%get3A] {strides = array<i32>} : memref<10112xi32, #tpu.memory_space<vmem>>, vector<16xi32>,
      tpu.vector_store_idx %arg6[%get3A_21], %broadcast_in_dim3A_3 {add = true} : memref<10240xf32, #tpu.memory_space<vmem>>[vector<16xi32>], vector<16xf32>,
    }
    %scan3A_8 = arith.constant 632 : i32
    "tpu.region"() ({
      %run_scoped3A = tpu.sem_alloc : memref<!tpu.dma_semaphore, #tpu.memory_space<semaphore_mem>>
      %dma_start3A = arith.constant 0 : i32
      %dma_start3A_18 = tpu.memref_slice %arg9[%arg1, %dma_start3A] : memref<16x10240xf32, #tpu.memory_space<vmem_shared>> -> memref<1x10240xf32, #tpu.memory_space<vmem_shared>>
      %dma_start3A_19 = tpu.memref_squeeze %dma_start3A_18 : memref<1x10240xf32, #tpu.memory_space<vmem_shared>> -> memref<10240xf32, #tpu.memory_space<vmem_shared>>
      %dma_start3A_20 = arith.constant 0 : i32
      %dma_start3A_21 = tpu.memref_slice %arg9[%arg1, %dma_start3A_20] : memref<16x10240xf32, #tpu.memory_space<vmem_shared>> -> memref<1x10240xf32, #tpu.memory_space<vmem_shared>>
      %dma_start3A_22 = tpu.memref_squeeze %dma_start3A_21 : memref<1x10240xf32, #tpu.memory_space<vmem_shared>> -> memref<10240xf32, #tpu.memory_space<vmem_shared>>
      tpu.enqueue_dma source(%arg6 : memref<10240xf32, #tpu.memory_space<vmem>>) target(%dma_start3A_22 : memref<10240xf32, #tpu.memory_space<vmem_shared>>) target_semaphore(%run_scoped3A : memref<!tpu.dma_semaphore, #tpu.memory_space<semaphore_mem>>)
      %dma_wait3A = arith.constant 0 : i32
      %dma_wait3A_23 = tpu.memref_slice %arg9[%arg1, %dma_wait3A] : memref<16x10240xf32, #tpu.memory_space<vmem_shared>> -> memref<1x10240xf32, #tpu.memory_space<vmem_shared>>
      %dma_wait3A_24 = tpu.memref_squeeze %dma_wait3A_23 : memref<1x10240xf32, #tpu.memory_space<vmem_shared>> -> memref<10240xf32, #tpu.memory_space<vmem_shared>>
      %dma_wait3A_25 = arith.constant 0 : i32
      %dma_wait3A_26 = tpu.memref_slice %arg9[%arg1, %dma_wait3A_25] : memref<16x10240xf32, #tpu.memory_space<vmem_shared>> -> memref<1x10240xf32, #tpu.memory_space<vmem_shared>>
      %dma_wait3A_27 = tpu.memref_squeeze %dma_wait3A_26 : memref<1x10240xf32, #tpu.memory_space<vmem_shared>> -> memref<10240xf32, #tpu.memory_space<vmem_shared>>
      tpu.wait_dma2 semaphore(%run_scoped3A : memref<!tpu.dma_semaphore, #tpu.memory_space<semaphore_mem>>) src(%arg6 : memref<10240xf32, #tpu.memory_space<vmem>>) dst(%dma_wait3A_27 : memref<10240xf32, #tpu.memory_space<vmem_shared>>)
      tpu.yield
    }) : () -> ()
    %barrier3A = arith.constant 0 : index
    tpu.barrier barrier_id(%barrier3A)
    %mul3A_9 = arith.constant 640 : i32
    %mul3A_10 = arith.muli %arg1, %mul3A_9 : i32
    %multiple_of3A_11 = tpu.assume_multiple %mul3A_10, 8 : i32
    "tpu.region"() ({
      %run_scoped3A = tpu.sem_alloc : memref<!tpu.dma_semaphore, #tpu.memory_space<semaphore_mem>>
      %dma_start3A = arith.constant 0 : i32
      %dma_start3A_18 = tpu.memref_slice %arg9[%dma_start3A, %multiple_of3A_11] : memref<16x10240xf32, #tpu.memory_space<vmem_shared>> -> memref<16x640xf32, #tpu.memory_space<vmem_shared>>
      %dma_start3A_19 = arith.constant 0 : i32
      %dma_start3A_20 = tpu.memref_slice %arg9[%dma_start3A_19, %multiple_of3A_11] : memref<16x10240xf32, #tpu.memory_space<vmem_shared>> -> memref<16x640xf32, #tpu.memory_space<vmem_shared>>
      tpu.enqueue_dma source(%dma_start3A_20 : memref<16x640xf32, #tpu.memory_space<vmem_shared>>) target(%arg7 : memref<16x640xf32, #tpu.memory_space<vmem>>) target_semaphore(%run_scoped3A : memref<!tpu.dma_semaphore, #tpu.memory_space<semaphore_mem>>)
      %dma_wait3A = arith.constant 0 : i32
      %dma_wait3A_21 = tpu.memref_slice %arg9[%dma_wait3A, %multiple_of3A_11] : memref<16x10240xf32, #tpu.memory_space<vmem_shared>> -> memref<16x640xf32, #tpu.memory_space<vmem_shared>>
      %dma_wait3A_22 = arith.constant 0 : i32
      %dma_wait3A_23 = tpu.memref_slice %arg9[%dma_wait3A_22, %multiple_of3A_11] : memref<16x10240xf32, #tpu.memory_space<vmem_shared>> -> memref<16x640xf32, #tpu.memory_space<vmem_shared>>
      tpu.wait_dma2 semaphore(%run_scoped3A : memref<!tpu.dma_semaphore, #tpu.memory_space<semaphore_mem>>) src(%dma_wait3A_23 : memref<16x640xf32, #tpu.memory_space<vmem_shared>>) dst(%arg7 : memref<16x640xf32, #tpu.memory_space<vmem>>)
      tpu.yield
    }) : () -> ()
    %scan3A_12 = arith.constant 0 : i32
    %scan3A_13 = arith.constant 0 : i32
    %scan3A_14 = arith.constant 40 : i32
    %scan3A_15 = arith.addi %scan3A_13, %scan3A_14 : i32
    %scan3A_16 = arith.constant 1 : i32
    scf.for %scan3A_18 = %scan3A_13 to %scan3A_15 step %scan3A_16  : i32 {
      %mul3A_19 = arith.constant 16 : i32
      %mul3A_20 = arith.muli %scan3A_18, %mul3A_19 : i32
      %get3A = arith.constant 0 : i32
      %get3A_21 = arith.index_cast %get3A : i32 to index
      %get3A_22 = arith.index_cast %mul3A_20 : i32 to index
      %get3A_23 = tpu.vector_load %arg7[%get3A_21, %get3A_22] {strides = array<i32>} : memref<16x640xf32, #tpu.memory_space<vmem>>, vector<16xf32>,
      %mul3A_24 = arith.constant 16 : i32
      %mul3A_25 = arith.muli %scan3A_18, %mul3A_24 : i32
      %get3A_26 = arith.constant 1 : i32
      %get3A_27 = arith.index_cast %get3A_26 : i32 to index
      %get3A_28 = arith.index_cast %mul3A_25 : i32 to index
      %get3A_29 = tpu.vector_load %arg7[%get3A_27, %get3A_28] {strides = array<i32>} : memref<16x640xf32, #tpu.memory_space<vmem>>, vector<16xf32>,
      %add3A_30 = arith.addf %get3A_23, %get3A_29 : vector<16xf32>
      %mul3A_31 = arith.constant 16 : i32
      %mul3A_32 = arith.muli %scan3A_18, %mul3A_31 : i32
      %get3A_33 = arith.constant 2 : i32
      %get3A_34 = arith.index_cast %get3A_33 : i32 to index
      %get3A_35 = arith.index_cast %mul3A_32 : i32 to index
      %get3A_36 = tpu.vector_load %arg7[%get3A_34, %get3A_35] {strides = array<i32>} : memref<16x640xf32, #tpu.memory_space<vmem>>, vector<16xf32>,
      %add3A_37 = arith.addf %add3A_30, %get3A_36 : vector<16xf32>
      %mul3A_38 = arith.constant 16 : i32
      %mul3A_39 = arith.muli %scan3A_18, %mul3A_38 : i32
      %get3A_40 = arith.constant 3 : i32
      %get3A_41 = arith.index_cast %get3A_40 : i32 to index
      %get3A_42 = arith.index_cast %mul3A_39 : i32 to index
      %get3A_43 = tpu.vector_load %arg7[%get3A_41, %get3A_42] {strides = array<i32>} : memref<16x640xf32, #tpu.memory_space<vmem>>, vector<16xf32>,
      %add3A_44 = arith.addf %add3A_37, %get3A_43 : vector<16xf32>
      %mul3A_45 = arith.constant 16 : i32
      %mul3A_46 = arith.muli %scan3A_18, %mul3A_45 : i32
      %get3A_47 = arith.constant 4 : i32
      %get3A_48 = arith.index_cast %get3A_47 : i32 to index
      %get3A_49 = arith.index_cast %mul3A_46 : i32 to index
      %get3A_50 = tpu.vector_load %arg7[%get3A_48, %get3A_49] {strides = array<i32>} : memref<16x640xf32, #tpu.memory_space<vmem>>, vector<16xf32>,
      %add3A_51 = arith.addf %add3A_44, %get3A_50 : vector<16xf32>
      %mul3A_52 = arith.constant 16 : i32
      %mul3A_53 = arith.muli %scan3A_18, %mul3A_52 : i32
      %get3A_54 = arith.constant 5 : i32
      %get3A_55 = arith.index_cast %get3A_54 : i32 to index
      %get3A_56 = arith.index_cast %mul3A_53 : i32 to index
      %get3A_57 = tpu.vector_load %arg7[%get3A_55, %get3A_56] {strides = array<i32>} : memref<16x640xf32, #tpu.memory_space<vmem>>, vector<16xf32>,
      %add3A_58 = arith.addf %add3A_51, %get3A_57 : vector<16xf32>
      %mul3A_59 = arith.constant 16 : i32
      %mul3A_60 = arith.muli %scan3A_18, %mul3A_59 : i32
      %get3A_61 = arith.constant 6 : i32
      %get3A_62 = arith.index_cast %get3A_61 : i32 to index
      %get3A_63 = arith.index_cast %mul3A_60 : i32 to index
      %get3A_64 = tpu.vector_load %arg7[%get3A_62, %get3A_63] {strides = array<i32>} : memref<16x640xf32, #tpu.memory_space<vmem>>, vector<16xf32>,
      %add3A_65 = arith.addf %add3A_58, %get3A_64 : vector<16xf32>
      %mul3A_66 = arith.constant 16 : i32
      %mul3A_67 = arith.muli %scan3A_18, %mul3A_66 : i32
      %get3A_68 = arith.constant 7 : i32
      %get3A_69 = arith.index_cast %get3A_68 : i32 to index
      %get3A_70 = arith.index_cast %mul3A_67 : i32 to index
      %get3A_71 = tpu.vector_load %arg7[%get3A_69, %get3A_70] {strides = array<i32>} : memref<16x640xf32, #tpu.memory_space<vmem>>, vector<16xf32>,
      %add3A_72 = arith.addf %add3A_65, %get3A_71 : vector<16xf32>
      %mul3A_73 = arith.constant 16 : i32
      %mul3A_74 = arith.muli %scan3A_18, %mul3A_73 : i32
      %get3A_75 = arith.constant 8 : i32
      %get3A_76 = arith.index_cast %get3A_75 : i32 to index
      %get3A_77 = arith.index_cast %mul3A_74 : i32 to index
      %get3A_78 = tpu.vector_load %arg7[%get3A_76, %get3A_77] {strides = array<i32>} : memref<16x640xf32, #tpu.memory_space<vmem>>, vector<16xf32>,
      %add3A_79 = arith.addf %add3A_72, %get3A_78 : vector<16xf32>
      %mul3A_80 = arith.constant 16 : i32
      %mul3A_81 = arith.muli %scan3A_18, %mul3A_80 : i32
      %get3A_82 = arith.constant 9 : i32
      %get3A_83 = arith.index_cast %get3A_82 : i32 to index
      %get3A_84 = arith.index_cast %mul3A_81 : i32 to index
      %get3A_85 = tpu.vector_load %arg7[%get3A_83, %get3A_84] {strides = array<i32>} : memref<16x640xf32, #tpu.memory_space<vmem>>, vector<16xf32>,
      %add3A_86 = arith.addf %add3A_79, %get3A_85 : vector<16xf32>
      %mul3A_87 = arith.constant 16 : i32
      %mul3A_88 = arith.muli %scan3A_18, %mul3A_87 : i32
      %get3A_89 = arith.constant 10 : i32
      %get3A_90 = arith.index_cast %get3A_89 : i32 to index
      %get3A_91 = arith.index_cast %mul3A_88 : i32 to index
      %get3A_92 = tpu.vector_load %arg7[%get3A_90, %get3A_91] {strides = array<i32>} : memref<16x640xf32, #tpu.memory_space<vmem>>, vector<16xf32>,
      %add3A_93 = arith.addf %add3A_86, %get3A_92 : vector<16xf32>
      %mul3A_94 = arith.constant 16 : i32
      %mul3A_95 = arith.muli %scan3A_18, %mul3A_94 : i32
      %get3A_96 = arith.constant 11 : i32
      %get3A_97 = arith.index_cast %get3A_96 : i32 to index
      %get3A_98 = arith.index_cast %mul3A_95 : i32 to index
      %get3A_99 = tpu.vector_load %arg7[%get3A_97, %get3A_98] {strides = array<i32>} : memref<16x640xf32, #tpu.memory_space<vmem>>, vector<16xf32>,
      %add3A_100 = arith.addf %add3A_93, %get3A_99 : vector<16xf32>
      %mul3A_101 = arith.constant 16 : i32
      %mul3A_102 = arith.muli %scan3A_18, %mul3A_101 : i32
      %get3A_103 = arith.constant 12 : i32
      %get3A_104 = arith.index_cast %get3A_103 : i32 to index
      %get3A_105 = arith.index_cast %mul3A_102 : i32 to index
      %get3A_106 = tpu.vector_load %arg7[%get3A_104, %get3A_105] {strides = array<i32>} : memref<16x640xf32, #tpu.memory_space<vmem>>, vector<16xf32>,
      %add3A_107 = arith.addf %add3A_100, %get3A_106 : vector<16xf32>
      %mul3A_108 = arith.constant 16 : i32
      %mul3A_109 = arith.muli %scan3A_18, %mul3A_108 : i32
      %get3A_110 = arith.constant 13 : i32
      %get3A_111 = arith.index_cast %get3A_110 : i32 to index
      %get3A_112 = arith.index_cast %mul3A_109 : i32 to index
      %get3A_113 = tpu.vector_load %arg7[%get3A_111, %get3A_112] {strides = array<i32>} : memref<16x640xf32, #tpu.memory_space<vmem>>, vector<16xf32>,
      %add3A_114 = arith.addf %add3A_107, %get3A_113 : vector<16xf32>
      %mul3A_115 = arith.constant 16 : i32
      %mul3A_116 = arith.muli %scan3A_18, %mul3A_115 : i32
      %get3A_117 = arith.constant 14 : i32
      %get3A_118 = arith.index_cast %get3A_117 : i32 to index
      %get3A_119 = arith.index_cast %mul3A_116 : i32 to index
      %get3A_120 = tpu.vector_load %arg7[%get3A_118, %get3A_119] {strides = array<i32>} : memref<16x640xf32, #tpu.memory_space<vmem>>, vector<16xf32>,
      %add3A_121 = arith.addf %add3A_114, %get3A_120 : vector<16xf32>
      %mul3A_122 = arith.constant 16 : i32
      %mul3A_123 = arith.muli %scan3A_18, %mul3A_122 : i32
      %get3A_124 = arith.constant 15 : i32
      %get3A_125 = arith.index_cast %get3A_124 : i32 to index
      %get3A_126 = arith.index_cast %mul3A_123 : i32 to index
      %get3A_127 = tpu.vector_load %arg7[%get3A_125, %get3A_126] {strides = array<i32>} : memref<16x640xf32, #tpu.memory_space<vmem>>, vector<16xf32>,
      %add3A_128 = arith.addf %add3A_121, %get3A_127 : vector<16xf32>
      %mul3A_129 = arith.constant 16 : i32
      %mul3A_130 = arith.muli %scan3A_18, %mul3A_129 : i32
      %swap3A = arith.index_cast %mul3A_130 : i32 to index
      %swap3A_131 = tpu.vector_load %arg8[%swap3A] {strides = array<i32>} : memref<640xf32, #tpu.memory_space<vmem>>, vector<16xf32>,
      tpu.vector_store %arg8[%swap3A], %add3A_128 {strides = array<i32>} : memref<640xf32, #tpu.memory_space<vmem>>, vector<16xf32>,
    }
    %scan3A_17 = arith.constant 40 : i32
    "tpu.region"() ({
      %run_scoped3A = tpu.sem_alloc : memref<!tpu.dma_semaphore, #tpu.memory_space<semaphore_mem>>
      %dma_start3A = tpu.memref_slice %arg4[%arg0, %multiple_of3A_11] : memref<2x10240xf32, #tpu.memory_space<hbm>> -> memref<1x640xf32, #tpu.memory_space<hbm>>
      %dma_start3A_18 = tpu.memref_squeeze %dma_start3A : memref<1x640xf32, #tpu.memory_space<hbm>> -> memref<640xf32, #tpu.memory_space<hbm>>
      %dma_start3A_19 = tpu.memref_slice %arg4[%arg0, %multiple_of3A_11] : memref<2x10240xf32, #tpu.memory_space<hbm>> -> memref<1x640xf32, #tpu.memory_space<hbm>>
      %dma_start3A_20 = tpu.memref_squeeze %dma_start3A_19 : memref<1x640xf32, #tpu.memory_space<hbm>> -> memref<640xf32, #tpu.memory_space<hbm>>
      tpu.enqueue_dma source(%arg8 : memref<640xf32, #tpu.memory_space<vmem>>) target(%dma_start3A_20 : memref<640xf32, #tpu.memory_space<hbm>>) target_semaphore(%run_scoped3A : memref<!tpu.dma_semaphore, #tpu.memory_space<semaphore_mem>>)
      %dma_wait3A = tpu.memref_slice %arg4[%arg0, %multiple_of3A_11] : memref<2x10240xf32, #tpu.memory_space<hbm>> -> memref<1x640xf32, #tpu.memory_space<hbm>>
      %dma_wait3A_21 = tpu.memref_squeeze %dma_wait3A : memref<1x640xf32, #tpu.memory_space<hbm>> -> memref<640xf32, #tpu.memory_space<hbm>>
      %dma_wait3A_22 = tpu.memref_slice %arg4[%arg0, %multiple_of3A_11] : memref<2x10240xf32, #tpu.memory_space<hbm>> -> memref<1x640xf32, #tpu.memory_space<hbm>>
      %dma_wait3A_23 = tpu.memref_squeeze %dma_wait3A_22 : memref<1x640xf32, #tpu.memory_space<hbm>> -> memref<640xf32, #tpu.memory_space<hbm>>
      tpu.wait_dma2 semaphore(%run_scoped3A : memref<!tpu.dma_semaphore, #tpu.memory_space<semaphore_mem>>) src(%arg8 : memref<640xf32, #tpu.memory_space<vmem>>) dst(%dma_wait3A_23 : memref<640xf32, #tpu.memory_space<hbm>>)
      tpu.yield
    }) : () -> ()
    return
  }
}

#map = affine_map<(d0, d1) -> (0)>
#map1 = affine_map<(d0, d1) -> (0, 0)>
#map2 = affine_map<(d0, d1) -> (0, 0, 0)>
module attributes {stable_mosaic.version = 14 : i64} {
  func.func @_seg_kernel(%arg0: i32, %arg1: i32, %arg2: memref<323584xi32, #tpu.memory_space<hbm>>, %arg3: memref<323584xi32, #tpu.memory_space<hbm>>, %arg4: memref<10000x128xf32, #tpu.memory_space<hbm>>, %arg5: memref<10240x128xf32, #tpu.memory_space<hbm>>, %arg6: memref<2x10240x128xf32, #tpu.memory_space<hbm>>, %arg7: memref<128xi32, #tpu.memory_space<vmem>>, %arg8: memref<128xi32, #tpu.memory_space<vmem>>, %arg9: memref<128x128xf32, #tpu.memory_space<vmem>>, %arg10: memref<10240x128xf32, #tpu.memory_space<vmem_shared>>, %arg11: memref<!tpu.dma_semaphore, #tpu.memory_space<semaphore_mem>>) attributes {dimension_semantics = [#tpu.dimension_semantics<core_parallel>, #tpu.dimension_semantics<subcore_parallel>], iteration_bounds = array<i64: 2, 16>, scalar_prefetch = 0 : i64, scratch_operands = 5 : i64, tpu.core_type = #tpu.core_type<sc_vector_subcore>, window_params = [{transform_indices = #map}, {transform_indices = #map}, {transform_indices = #map1}, {transform_indices = #map1}, {transform_indices = #map2}]} {
    %mul3A = arith.constant 640 : i32
    %mul3A_0 = arith.muli %arg1, %mul3A : i32
    %multiple_of3A = tpu.assume_multiple %mul3A_0, 8 : i32
    %eq3A = arith.constant 0 : i32
    %eq3A_1 = arith.cmpi eq, %arg0, %eq3A : i32
    %convert_element_type3A = arith.extui %eq3A_1 : i1 to i32
    %cond3A = arith.constant 0 : i32
    %cond3A_2 = arith.cmpi ne, %convert_element_type3A, %cond3A : i32
    scf.if %cond3A_2 {
      %lt3A = arith.constant 15 : i32
      %lt3A_18 = arith.cmpi slt, %arg1, %lt3A : i32
      %convert_element_type3A_19 = arith.extui %lt3A_18 : i1 to i32
      %cond3A_20 = arith.constant 0 : i32
      %cond3A_21 = arith.cmpi ne, %convert_element_type3A_19, %cond3A_20 : i32
      scf.if %cond3A_21 {
        "tpu.region"() ({
          %run_scoped3A = tpu.sem_alloc : memref<!tpu.dma_semaphore, #tpu.memory_space<semaphore_mem>>
          %dma_start3A = arith.constant 0 : i32
          %dma_start3A_27 = tpu.memref_slice %arg10[%multiple_of3A, %dma_start3A] : memref<10240x128xf32, #tpu.memory_space<vmem_shared>> -> memref<640x128xf32, #tpu.memory_space<vmem_shared>>
          %dma_start3A_28 = arith.constant 0 : i32
          %dma_start3A_29 = tpu.memref_slice %arg4[%multiple_of3A, %dma_start3A_28] : memref<10000x128xf32, #tpu.memory_space<hbm>> -> memref<640x128xf32, #tpu.memory_space<hbm>>
          tpu.enqueue_dma source(%dma_start3A_29 : memref<640x128xf32, #tpu.memory_space<hbm>>) target(%dma_start3A_27 : memref<640x128xf32, #tpu.memory_space<vmem_shared>>) target_semaphore(%run_scoped3A : memref<!tpu.dma_semaphore, #tpu.memory_space<semaphore_mem>>)
          %dma_wait3A = arith.constant 0 : i32
          %dma_wait3A_30 = tpu.memref_slice %arg10[%multiple_of3A, %dma_wait3A] : memref<10240x128xf32, #tpu.memory_space<vmem_shared>> -> memref<640x128xf32, #tpu.memory_space<vmem_shared>>
          %dma_wait3A_31 = arith.constant 0 : i32
          %dma_wait3A_32 = tpu.memref_slice %arg4[%multiple_of3A, %dma_wait3A_31] : memref<10000x128xf32, #tpu.memory_space<hbm>> -> memref<640x128xf32, #tpu.memory_space<hbm>>
          tpu.wait_dma2 semaphore(%run_scoped3A : memref<!tpu.dma_semaphore, #tpu.memory_space<semaphore_mem>>) src(%dma_wait3A_32 : memref<640x128xf32, #tpu.memory_space<hbm>>) dst(%dma_wait3A_30 : memref<640x128xf32, #tpu.memory_space<vmem_shared>>)
          tpu.yield
        }) : () -> ()
      } else {
      }
      %eq3A_22 = arith.constant 15 : i32
      %eq3A_23 = arith.cmpi eq, %arg1, %eq3A_22 : i32
      %convert_element_type3A_24 = arith.extui %eq3A_23 : i1 to i32
      %cond3A_25 = arith.constant 0 : i32
      %cond3A_26 = arith.cmpi ne, %convert_element_type3A_24, %cond3A_25 : i32
      scf.if %cond3A_26 {
        "tpu.region"() ({
          %run_scoped3A = tpu.sem_alloc : memref<!tpu.dma_semaphore, #tpu.memory_space<semaphore_mem>>
          %dma_start3A = arith.constant 9600 : i32
          %dma_start3A_27 = arith.constant 0 : i32
          %dma_start3A_28 = tpu.memref_slice %arg10[%dma_start3A, %dma_start3A_27] : memref<10240x128xf32, #tpu.memory_space<vmem_shared>> -> memref<400x128xf32, #tpu.memory_space<vmem_shared>>
          %dma_start3A_29 = arith.constant 9600 : i32
          %dma_start3A_30 = arith.constant 0 : i32
          %dma_start3A_31 = tpu.memref_slice %arg4[%dma_start3A_29, %dma_start3A_30] : memref<10000x128xf32, #tpu.memory_space<hbm>> -> memref<400x128xf32, #tpu.memory_space<hbm>>
          tpu.enqueue_dma source(%dma_start3A_31 : memref<400x128xf32, #tpu.memory_space<hbm>>) target(%dma_start3A_28 : memref<400x128xf32, #tpu.memory_space<vmem_shared>>) target_semaphore(%run_scoped3A : memref<!tpu.dma_semaphore, #tpu.memory_space<semaphore_mem>>)
          %dma_wait3A = arith.constant 9600 : i32
          %dma_wait3A_32 = arith.constant 0 : i32
          %dma_wait3A_33 = tpu.memref_slice %arg10[%dma_wait3A, %dma_wait3A_32] : memref<10240x128xf32, #tpu.memory_space<vmem_shared>> -> memref<400x128xf32, #tpu.memory_space<vmem_shared>>
          %dma_wait3A_34 = arith.constant 9600 : i32
          %dma_wait3A_35 = arith.constant 0 : i32
          %dma_wait3A_36 = tpu.memref_slice %arg4[%dma_wait3A_34, %dma_wait3A_35] : memref<10000x128xf32, #tpu.memory_space<hbm>> -> memref<400x128xf32, #tpu.memory_space<hbm>>
          tpu.wait_dma2 semaphore(%run_scoped3A : memref<!tpu.dma_semaphore, #tpu.memory_space<semaphore_mem>>) src(%dma_wait3A_36 : memref<400x128xf32, #tpu.memory_space<hbm>>) dst(%dma_wait3A_33 : memref<400x128xf32, #tpu.memory_space<vmem_shared>>)
          tpu.yield
        }) : () -> ()
        "tpu.region"() ({
          %run_scoped3A = tpu.sem_alloc : memref<!tpu.dma_semaphore, #tpu.memory_space<semaphore_mem>>
          %dma_start3A = arith.constant 10000 : i32
          %dma_start3A_27 = arith.constant 0 : i32
          %dma_start3A_28 = tpu.memref_slice %arg10[%dma_start3A, %dma_start3A_27] : memref<10240x128xf32, #tpu.memory_space<vmem_shared>> -> memref<240x128xf32, #tpu.memory_space<vmem_shared>>
          %dma_start3A_29 = arith.constant 10000 : i32
          %dma_start3A_30 = arith.constant 0 : i32
          %dma_start3A_31 = tpu.memref_slice %arg5[%dma_start3A_29, %dma_start3A_30] : memref<10240x128xf32, #tpu.memory_space<hbm>> -> memref<240x128xf32, #tpu.memory_space<hbm>>
          tpu.enqueue_dma source(%dma_start3A_31 : memref<240x128xf32, #tpu.memory_space<hbm>>) target(%dma_start3A_28 : memref<240x128xf32, #tpu.memory_space<vmem_shared>>) target_semaphore(%run_scoped3A : memref<!tpu.dma_semaphore, #tpu.memory_space<semaphore_mem>>)
          %dma_wait3A = arith.constant 10000 : i32
          %dma_wait3A_32 = arith.constant 0 : i32
          %dma_wait3A_33 = tpu.memref_slice %arg10[%dma_wait3A, %dma_wait3A_32] : memref<10240x128xf32, #tpu.memory_space<vmem_shared>> -> memref<240x128xf32, #tpu.memory_space<vmem_shared>>
          %dma_wait3A_34 = arith.constant 10000 : i32
          %dma_wait3A_35 = arith.constant 0 : i32
          %dma_wait3A_36 = tpu.memref_slice %arg5[%dma_wait3A_34, %dma_wait3A_35] : memref<10240x128xf32, #tpu.memory_space<hbm>> -> memref<240x128xf32, #tpu.memory_space<hbm>>
          tpu.wait_dma2 semaphore(%run_scoped3A : memref<!tpu.dma_semaphore, #tpu.memory_space<semaphore_mem>>) src(%dma_wait3A_36 : memref<240x128xf32, #tpu.memory_space<hbm>>) dst(%dma_wait3A_33 : memref<240x128xf32, #tpu.memory_space<vmem_shared>>)
          tpu.yield
        }) : () -> ()
      } else {
      }
    } else {
    }
    %ne3A = arith.constant 0 : i32
    %ne3A_3 = arith.cmpi ne, %arg0, %ne3A : i32
    %convert_element_type3A_4 = arith.extui %ne3A_3 : i1 to i32
    %cond3A_5 = arith.constant 0 : i32
    %cond3A_6 = arith.cmpi ne, %convert_element_type3A_4, %cond3A_5 : i32
    scf.if %cond3A_6 {
      "tpu.region"() ({
        %run_scoped3A = tpu.sem_alloc : memref<!tpu.dma_semaphore, #tpu.memory_space<semaphore_mem>>
        %dma_start3A = arith.constant 0 : i32
        %dma_start3A_18 = tpu.memref_slice %arg10[%multiple_of3A, %dma_start3A] : memref<10240x128xf32, #tpu.memory_space<vmem_shared>> -> memref<640x128xf32, #tpu.memory_space<vmem_shared>>
        %dma_start3A_19 = arith.constant 0 : i32
        %dma_start3A_20 = tpu.memref_slice %arg5[%multiple_of3A, %dma_start3A_19] : memref<10240x128xf32, #tpu.memory_space<hbm>> -> memref<640x128xf32, #tpu.memory_space<hbm>>
        tpu.enqueue_dma source(%dma_start3A_20 : memref<640x128xf32, #tpu.memory_space<hbm>>) target(%dma_start3A_18 : memref<640x128xf32, #tpu.memory_space<vmem_shared>>) target_semaphore(%run_scoped3A : memref<!tpu.dma_semaphore, #tpu.memory_space<semaphore_mem>>)
        %dma_wait3A = arith.constant 0 : i32
        %dma_wait3A_21 = tpu.memref_slice %arg10[%multiple_of3A, %dma_wait3A] : memref<10240x128xf32, #tpu.memory_space<vmem_shared>> -> memref<640x128xf32, #tpu.memory_space<vmem_shared>>
        %dma_wait3A_22 = arith.constant 0 : i32
        %dma_wait3A_23 = tpu.memref_slice %arg5[%multiple_of3A, %dma_wait3A_22] : memref<10240x128xf32, #tpu.memory_space<hbm>> -> memref<640x128xf32, #tpu.memory_space<hbm>>
        tpu.wait_dma2 semaphore(%run_scoped3A : memref<!tpu.dma_semaphore, #tpu.memory_space<semaphore_mem>>) src(%dma_wait3A_23 : memref<640x128xf32, #tpu.memory_space<hbm>>) dst(%dma_wait3A_21 : memref<640x128xf32, #tpu.memory_space<vmem_shared>>)
        tpu.yield
      }) : () -> ()
    } else {
    }
    %barrier3A = arith.constant 0 : index
    tpu.barrier barrier_id(%barrier3A)
    %eq3A_7 = arith.constant 0 : i32
    %eq3A_8 = arith.cmpi eq, %arg0, %eq3A_7 : i32
    %convert_element_type3A_9 = arith.extui %eq3A_8 : i1 to i32
    %cond3A_10 = arith.constant 0 : i32
    %cond3A_11 = arith.cmpi ne, %convert_element_type3A_9, %cond3A_10 : i32
    scf.if %cond3A_11 {
      %mul3A_18 = arith.constant 112 : i32
      %mul3A_19 = arith.muli %arg1, %mul3A_18 : i32
      %mul3A_20 = arith.constant 128 : i32
      %mul3A_21 = arith.muli %mul3A_19, %mul3A_20 : i32
      %multiple_of3A_22 = tpu.assume_multiple %mul3A_21, 128 : i32
      %scan3A = arith.constant 0 : i32
      %scan3A_23 = arith.constant 0 : i32
      %scan3A_24 = arith.constant 112 : i32
      %scan3A_25 = arith.addi %scan3A_23, %scan3A_24 : i32
      %scan3A_26 = arith.constant 1 : i32
      scf.for %scan3A_28 = %scan3A_23 to %scan3A_25 step %scan3A_26  : i32 {
        %mul3A_29 = arith.constant 128 : i32
        %mul3A_30 = arith.muli %scan3A_28, %mul3A_29 : i32
        %add3A = arith.addi %multiple_of3A_22, %mul3A_30 : i32
        %multiple_of3A_31 = tpu.assume_multiple %add3A, 128 : i32
        "tpu.region"() ({
          %run_scoped3A = tpu.sem_alloc : memref<!tpu.dma_semaphore, #tpu.memory_space<semaphore_mem>>
          %dma_start3A_36 = tpu.memref_slice %arg2[%multiple_of3A_31] : memref<323584xi32, #tpu.memory_space<hbm>> -> memref<128xi32, #tpu.memory_space<hbm>>
          %dma_start3A_37 = tpu.memref_slice %arg2[%multiple_of3A_31] : memref<323584xi32, #tpu.memory_space<hbm>> -> memref<128xi32, #tpu.memory_space<hbm>>
          tpu.enqueue_dma source(%dma_start3A_37 : memref<128xi32, #tpu.memory_space<hbm>>) target(%arg7 : memref<128xi32, #tpu.memory_space<vmem>>) target_semaphore(%run_scoped3A : memref<!tpu.dma_semaphore, #tpu.memory_space<semaphore_mem>>)
          %dma_wait3A_38 = tpu.memref_slice %arg2[%multiple_of3A_31] : memref<323584xi32, #tpu.memory_space<hbm>> -> memref<128xi32, #tpu.memory_space<hbm>>
          %dma_wait3A_39 = tpu.memref_slice %arg2[%multiple_of3A_31] : memref<323584xi32, #tpu.memory_space<hbm>> -> memref<128xi32, #tpu.memory_space<hbm>>
          tpu.wait_dma2 semaphore(%run_scoped3A : memref<!tpu.dma_semaphore, #tpu.memory_space<semaphore_mem>>) src(%dma_wait3A_39 : memref<128xi32, #tpu.memory_space<hbm>>) dst(%arg7 : memref<128xi32, #tpu.memory_space<vmem>>)
          tpu.yield
        }) : () -> ()
        "tpu.region"() ({
          %run_scoped3A = tpu.sem_alloc : memref<!tpu.dma_semaphore, #tpu.memory_space<semaphore_mem>>
          %dma_start3A_36 = tpu.memref_slice %arg3[%multiple_of3A_31] : memref<323584xi32, #tpu.memory_space<hbm>> -> memref<128xi32, #tpu.memory_space<hbm>>
          %dma_start3A_37 = tpu.memref_slice %arg3[%multiple_of3A_31] : memref<323584xi32, #tpu.memory_space<hbm>> -> memref<128xi32, #tpu.memory_space<hbm>>
          tpu.enqueue_dma source(%dma_start3A_37 : memref<128xi32, #tpu.memory_space<hbm>>) target(%arg8 : memref<128xi32, #tpu.memory_space<vmem>>) target_semaphore(%run_scoped3A : memref<!tpu.dma_semaphore, #tpu.memory_space<semaphore_mem>>)
          %dma_wait3A_38 = tpu.memref_slice %arg3[%multiple_of3A_31] : memref<323584xi32, #tpu.memory_space<hbm>> -> memref<128xi32, #tpu.memory_space<hbm>>
          %dma_wait3A_39 = tpu.memref_slice %arg3[%multiple_of3A_31] : memref<323584xi32, #tpu.memory_space<hbm>> -> memref<128xi32, #tpu.memory_space<hbm>>
          tpu.wait_dma2 semaphore(%run_scoped3A : memref<!tpu.dma_semaphore, #tpu.memory_space<semaphore_mem>>) src(%dma_wait3A_39 : memref<128xi32, #tpu.memory_space<hbm>>) dst(%arg8 : memref<128xi32, #tpu.memory_space<vmem>>)
          tpu.yield
        }) : () -> ()
        %dma_start3A = arith.constant 0 : i32
        %dma_start3A_32 = arith.constant 0 : i32
        %dma_start3A_33 = tpu.memref_slice %arg4[%dma_start3A, %dma_start3A_32] : memref<10000x128xf32, #tpu.memory_space<hbm>> -> memref<10000x128xf32, #tpu.memory_space<hbm>>
        tpu.enqueue_indirect_dma source(%dma_start3A_33 : memref<10000x128xf32, #tpu.memory_space<hbm>>) target(%arg9 : memref<128x128xf32, #tpu.memory_space<vmem>>) offsets(%arg7 : memref<128xi32, #tpu.memory_space<vmem>>) semaphore(%arg11 : memref<!tpu.dma_semaphore, #tpu.memory_space<semaphore_mem>>)
        %dma_wait3A = arith.constant 0 : i32
        %dma_wait3A_34 = arith.constant 0 : i32
        %dma_wait3A_35 = tpu.memref_slice %arg4[%dma_wait3A, %dma_wait3A_34] : memref<10000x128xf32, #tpu.memory_space<hbm>> -> memref<10000x128xf32, #tpu.memory_space<hbm>>
        tpu.wait_indirect_dma semaphore(%arg11 : memref<!tpu.dma_semaphore, #tpu.memory_space<semaphore_mem>>) src(%dma_wait3A_35 : memref<10000x128xf32, #tpu.memory_space<hbm>>) dst(%arg9 : memref<128x128xf32, #tpu.memory_space<vmem>>)
        "tpu.region"() ({
          %run_scoped3A = tpu.sem_alloc : memref<!tpu.dma_semaphore, #tpu.memory_space<semaphore_mem>>
          %dma_start3A_36 = arith.constant 0 : i32
          %dma_start3A_37 = arith.constant 0 : i32
          %dma_start3A_38 = tpu.memref_slice %arg10[%dma_start3A_36, %dma_start3A_37] : memref<10240x128xf32, #tpu.memory_space<vmem_shared>> -> memref<10240x128xf32, #tpu.memory_space<vmem_shared>>
          tpu.enqueue_indirect_dma source(%arg9 : memref<128x128xf32, #tpu.memory_space<vmem>>) target(%dma_start3A_38 : memref<10240x128xf32, #tpu.memory_space<vmem_shared>>) offsets(%arg8 : memref<128xi32, #tpu.memory_space<vmem>>) semaphore(%run_scoped3A : memref<!tpu.dma_semaphore, #tpu.memory_space<semaphore_mem>>) {add = true}
          %dma_wait3A_39 = arith.constant 0 : i32
          %dma_wait3A_40 = arith.constant 0 : i32
          %dma_wait3A_41 = tpu.memref_slice %arg10[%dma_wait3A_39, %dma_wait3A_40] : memref<10240x128xf32, #tpu.memory_space<vmem_shared>> -> memref<10240x128xf32, #tpu.memory_space<vmem_shared>>
          tpu.wait_indirect_dma semaphore(%run_scoped3A : memref<!tpu.dma_semaphore, #tpu.memory_space<semaphore_mem>>) src(%arg9 : memref<128x128xf32, #tpu.memory_space<vmem>>) dst(%dma_wait3A_41 : memref<10240x128xf32, #tpu.memory_space<vmem_shared>>)
          tpu.yield
        }) : () -> ()
      }
      %scan3A_27 = arith.constant 112 : i32
    } else {
    }
    %ne3A_12 = arith.constant 0 : i32
    %ne3A_13 = arith.cmpi ne, %arg0, %ne3A_12 : i32
    %convert_element_type3A_14 = arith.extui %ne3A_13 : i1 to i32
    %cond3A_15 = arith.constant 0 : i32
    %cond3A_16 = arith.cmpi ne, %convert_element_type3A_14, %cond3A_15 : i32
    scf.if %cond3A_16 {
      %mul3A_18 = arith.constant 46 : i32
      %mul3A_19 = arith.muli %arg1, %mul3A_18 : i32
      %add3A = arith.constant 1792 : i32
      %add3A_20 = arith.addi %add3A, %mul3A_19 : i32
      %mul3A_21 = arith.constant 128 : i32
      %mul3A_22 = arith.muli %add3A_20, %mul3A_21 : i32
      %multiple_of3A_23 = tpu.assume_multiple %mul3A_22, 128 : i32
      %scan3A = arith.constant 0 : i32
      %scan3A_24 = arith.constant 0 : i32
      %scan3A_25 = arith.constant 46 : i32
      %scan3A_26 = arith.addi %scan3A_24, %scan3A_25 : i32
      %scan3A_27 = arith.constant 1 : i32
      scf.for %scan3A_29 = %scan3A_24 to %scan3A_26 step %scan3A_27  : i32 {
        %mul3A_30 = arith.constant 128 : i32
        %mul3A_31 = arith.muli %scan3A_29, %mul3A_30 : i32
        %add3A_32 = arith.addi %multiple_of3A_23, %mul3A_31 : i32
        %multiple_of3A_33 = tpu.assume_multiple %add3A_32, 128 : i32
        "tpu.region"() ({
          %run_scoped3A = tpu.sem_alloc : memref<!tpu.dma_semaphore, #tpu.memory_space<semaphore_mem>>
          %dma_start3A_38 = tpu.memref_slice %arg2[%multiple_of3A_33] : memref<323584xi32, #tpu.memory_space<hbm>> -> memref<128xi32, #tpu.memory_space<hbm>>
          %dma_start3A_39 = tpu.memref_slice %arg2[%multiple_of3A_33] : memref<323584xi32, #tpu.memory_space<hbm>> -> memref<128xi32, #tpu.memory_space<hbm>>
          tpu.enqueue_dma source(%dma_start3A_39 : memref<128xi32, #tpu.memory_space<hbm>>) target(%arg7 : memref<128xi32, #tpu.memory_space<vmem>>) target_semaphore(%run_scoped3A : memref<!tpu.dma_semaphore, #tpu.memory_space<semaphore_mem>>)
          %dma_wait3A_40 = tpu.memref_slice %arg2[%multiple_of3A_33] : memref<323584xi32, #tpu.memory_space<hbm>> -> memref<128xi32, #tpu.memory_space<hbm>>
          %dma_wait3A_41 = tpu.memref_slice %arg2[%multiple_of3A_33] : memref<323584xi32, #tpu.memory_space<hbm>> -> memref<128xi32, #tpu.memory_space<hbm>>
          tpu.wait_dma2 semaphore(%run_scoped3A : memref<!tpu.dma_semaphore, #tpu.memory_space<semaphore_mem>>) src(%dma_wait3A_41 : memref<128xi32, #tpu.memory_space<hbm>>) dst(%arg7 : memref<128xi32, #tpu.memory_space<vmem>>)
          tpu.yield
        }) : () -> ()
        "tpu.region"() ({
          %run_scoped3A = tpu.sem_alloc : memref<!tpu.dma_semaphore, #tpu.memory_space<semaphore_mem>>
          %dma_start3A_38 = tpu.memref_slice %arg3[%multiple_of3A_33] : memref<323584xi32, #tpu.memory_space<hbm>> -> memref<128xi32, #tpu.memory_space<hbm>>
          %dma_start3A_39 = tpu.memref_slice %arg3[%multiple_of3A_33] : memref<323584xi32, #tpu.memory_space<hbm>> -> memref<128xi32, #tpu.memory_space<hbm>>
          tpu.enqueue_dma source(%dma_start3A_39 : memref<128xi32, #tpu.memory_space<hbm>>) target(%arg8 : memref<128xi32, #tpu.memory_space<vmem>>) target_semaphore(%run_scoped3A : memref<!tpu.dma_semaphore, #tpu.memory_space<semaphore_mem>>)
          %dma_wait3A_40 = tpu.memref_slice %arg3[%multiple_of3A_33] : memref<323584xi32, #tpu.memory_space<hbm>> -> memref<128xi32, #tpu.memory_space<hbm>>
          %dma_wait3A_41 = tpu.memref_slice %arg3[%multiple_of3A_33] : memref<323584xi32, #tpu.memory_space<hbm>> -> memref<128xi32, #tpu.memory_space<hbm>>
          tpu.wait_dma2 semaphore(%run_scoped3A : memref<!tpu.dma_semaphore, #tpu.memory_space<semaphore_mem>>) src(%dma_wait3A_41 : memref<128xi32, #tpu.memory_space<hbm>>) dst(%arg8 : memref<128xi32, #tpu.memory_space<vmem>>)
          tpu.yield
        }) : () -> ()
        %dma_start3A = arith.constant 0 : i32
        %dma_start3A_34 = arith.constant 0 : i32
        %dma_start3A_35 = tpu.memref_slice %arg4[%dma_start3A, %dma_start3A_34] : memref<10000x128xf32, #tpu.memory_space<hbm>> -> memref<10000x128xf32, #tpu.memory_space<hbm>>
        tpu.enqueue_indirect_dma source(%dma_start3A_35 : memref<10000x128xf32, #tpu.memory_space<hbm>>) target(%arg9 : memref<128x128xf32, #tpu.memory_space<vmem>>) offsets(%arg7 : memref<128xi32, #tpu.memory_space<vmem>>) semaphore(%arg11 : memref<!tpu.dma_semaphore, #tpu.memory_space<semaphore_mem>>)
        %dma_wait3A = arith.constant 0 : i32
        %dma_wait3A_36 = arith.constant 0 : i32
        %dma_wait3A_37 = tpu.memref_slice %arg4[%dma_wait3A, %dma_wait3A_36] : memref<10000x128xf32, #tpu.memory_space<hbm>> -> memref<10000x128xf32, #tpu.memory_space<hbm>>
        tpu.wait_indirect_dma semaphore(%arg11 : memref<!tpu.dma_semaphore, #tpu.memory_space<semaphore_mem>>) src(%dma_wait3A_37 : memref<10000x128xf32, #tpu.memory_space<hbm>>) dst(%arg9 : memref<128x128xf32, #tpu.memory_space<vmem>>)
        "tpu.region"() ({
          %run_scoped3A = tpu.sem_alloc : memref<!tpu.dma_semaphore, #tpu.memory_space<semaphore_mem>>
          %dma_start3A_38 = arith.constant 0 : i32
          %dma_start3A_39 = arith.constant 0 : i32
          %dma_start3A_40 = tpu.memref_slice %arg10[%dma_start3A_38, %dma_start3A_39] : memref<10240x128xf32, #tpu.memory_space<vmem_shared>> -> memref<10240x128xf32, #tpu.memory_space<vmem_shared>>
          tpu.enqueue_indirect_dma source(%arg9 : memref<128x128xf32, #tpu.memory_space<vmem>>) target(%dma_start3A_40 : memref<10240x128xf32, #tpu.memory_space<vmem_shared>>) offsets(%arg8 : memref<128xi32, #tpu.memory_space<vmem>>) semaphore(%run_scoped3A : memref<!tpu.dma_semaphore, #tpu.memory_space<semaphore_mem>>) {add = true}
          %dma_wait3A_41 = arith.constant 0 : i32
          %dma_wait3A_42 = arith.constant 0 : i32
          %dma_wait3A_43 = tpu.memref_slice %arg10[%dma_wait3A_41, %dma_wait3A_42] : memref<10240x128xf32, #tpu.memory_space<vmem_shared>> -> memref<10240x128xf32, #tpu.memory_space<vmem_shared>>
          tpu.wait_indirect_dma semaphore(%run_scoped3A : memref<!tpu.dma_semaphore, #tpu.memory_space<semaphore_mem>>) src(%arg9 : memref<128x128xf32, #tpu.memory_space<vmem>>) dst(%dma_wait3A_43 : memref<10240x128xf32, #tpu.memory_space<vmem_shared>>)
          tpu.yield
        }) : () -> ()
      }
      %scan3A_28 = arith.constant 46 : i32
    } else {
    }
    %barrier3A_17 = arith.constant 0 : index
    tpu.barrier barrier_id(%barrier3A_17)
    "tpu.region"() ({
      %run_scoped3A = tpu.sem_alloc : memref<!tpu.dma_semaphore, #tpu.memory_space<semaphore_mem>>
      %dma_start3A = arith.constant 0 : i32
      %dma_start3A_18 = tpu.memref_slice %arg6[%arg0, %multiple_of3A, %dma_start3A] : memref<2x10240x128xf32, #tpu.memory_space<hbm>> -> memref<1x640x128xf32, #tpu.memory_space<hbm>>
      %dma_start3A_19 = tpu.memref_squeeze %dma_start3A_18 : memref<1x640x128xf32, #tpu.memory_space<hbm>> -> memref<640x128xf32, #tpu.memory_space<hbm>>
      %dma_start3A_20 = arith.constant 0 : i32
      %dma_start3A_21 = tpu.memref_slice %arg10[%multiple_of3A, %dma_start3A_20] : memref<10240x128xf32, #tpu.memory_space<vmem_shared>> -> memref<640x128xf32, #tpu.memory_space<vmem_shared>>
      tpu.enqueue_dma source(%dma_start3A_21 : memref<640x128xf32, #tpu.memory_space<vmem_shared>>) target(%dma_start3A_19 : memref<640x128xf32, #tpu.memory_space<hbm>>) target_semaphore(%run_scoped3A : memref<!tpu.dma_semaphore, #tpu.memory_space<semaphore_mem>>)
      %dma_wait3A = arith.constant 0 : i32
      %dma_wait3A_22 = tpu.memref_slice %arg6[%arg0, %multiple_of3A, %dma_wait3A] : memref<2x10240x128xf32, #tpu.memory_space<hbm>> -> memref<1x640x128xf32, #tpu.memory_space<hbm>>
      %dma_wait3A_23 = tpu.memref_squeeze %dma_wait3A_22 : memref<1x640x128xf32, #tpu.memory_space<hbm>> -> memref<640x128xf32, #tpu.memory_space<hbm>>
      %dma_wait3A_24 = arith.constant 0 : i32
      %dma_wait3A_25 = tpu.memref_slice %arg10[%multiple_of3A, %dma_wait3A_24] : memref<10240x128xf32, #tpu.memory_space<vmem_shared>> -> memref<640x128xf32, #tpu.memory_space<vmem_shared>>
      tpu.wait_dma2 semaphore(%run_scoped3A : memref<!tpu.dma_semaphore, #tpu.memory_space<semaphore_mem>>) src(%dma_wait3A_25 : memref<640x128xf32, #tpu.memory_space<vmem_shared>>) dst(%dma_wait3A_23 : memref<640x128xf32, #tpu.memory_space<hbm>>)
      tpu.yield
    }) : () -> ()
    return
  }
}

module attributes {stable_mosaic.version = 14 : i64} {
  func.func @_dense1_body(%arg0: memref<10240x128xf32, #tpu.memory_space<vmem>>, %arg1: memref<10000x128xf32, #tpu.memory_space<vmem>>, %arg2: memref<128x128xf32, #tpu.memory_space<vmem>>, %arg3: memref<10000x128xf32, #tpu.memory_space<vmem>>) attributes {dimension_semantics = [], scalar_prefetch = 0 : i64, scratch_operands = 0 : i64, tpu.core_type = #tpu.core_type<tc>} {
    %get3A = arith.constant 0 : index
    %get3A_0 = arith.constant 0 : index
    %get3A_1 = vector.load %arg1[%get3A, %get3A_0] : memref<10000x128xf32, #tpu.memory_space<vmem>>, vector<10000x128xf32>
    %get3A_2 = arith.constant 0 : index
    %get3A_3 = arith.constant 0 : index
    %get3A_4 = vector.load %arg2[%get3A_2, %get3A_3] : memref<128x128xf32, #tpu.memory_space<vmem>>, vector<128x128xf32>
    %dot_general3A = arith.constant dense<0.000000e+00> : vector<10000x128xf32>
    %dot_general3A_5 = tpu.matmul %get3A_1, %get3A_4, %dot_general3A {dimension_numbers = #tpu.dot_dimension_numbers<[1], [0], [0], [1], [0, 0, 1, 1], [], []>, transpose_lhs_hint = false} : vector<10000x128xf32>, vector<128x128xf32>, vector<10000x128xf32> -> vector<10000x128xf32>
    %get3A_6 = arith.constant 0 : index
    %get3A_7 = arith.constant 0 : index
    %get3A_8 = vector.load %arg0[%get3A_6, %get3A_7] : memref<10240x128xf32, #tpu.memory_space<vmem>>, vector<10000x128xf32>
    %mul3A = arith.mulf %get3A_8, %dot_general3A_5 : vector<10000x128xf32>
    %swap3A = arith.constant 0 : index
    %swap3A_9 = arith.constant 0 : index
    %swap3A_10 = vector.load %arg3[%swap3A, %swap3A_9] : memref<10000x128xf32, #tpu.memory_space<vmem>>, vector<10000x128xf32>
    tpu.vector_store %arg3[%swap3A, %swap3A_9], %mul3A {strides = array<i32>} : memref<10000x128xf32, #tpu.memory_space<vmem>>, vector<10000x128xf32>,
    return
  }
}

module attributes {stable_mosaic.version = 14 : i64} {
  func.func @_dis_body(%arg0: i32, %arg1: memref<1x1x128xf32, #tpu.memory_space<vmem>>, %arg2: memref<1x1x128xf32, #tpu.memory_space<vmem>>, %arg3: memref<128x128xf32, #tpu.memory_space<vmem>>) attributes {dimension_semantics = [#tpu.dimension_semantics<arbitrary>], iteration_bounds = array<i64: 80>, scalar_prefetch = 0 : i64, scratch_operands = 0 : i64, tpu.core_type = #tpu.core_type<tc>, window_params = [{transform_indices = @transform_0, window_bounds = array<i64: 1, 1, 128>}, {transform_indices = @transform_1, window_bounds = array<i64: 1, 1, 128>}, {transform_indices = @transform_2, window_bounds = array<i64: 128, 128>}]} {
    %get3A = arith.constant 0 : index
    %get3A_0 = arith.constant 0 : index
    %get3A_1 = arith.constant 0 : index
    %get3A_2 = vector.load %arg1[%get3A, %get3A_0, %get3A_1] : memref<1x1x128xf32, #tpu.memory_space<vmem>>, vector<1x1x128xf32>
    %get3A_3 = vector.shape_cast %get3A_2 : vector<1x1x128xf32> to vector<128xf32>
    %add3A = arith.constant 1.000000e+00 : f32
    %add3A_4 = vector.broadcast %add3A : f32 to vector<128xf32>
    %add3A_5 = arith.addf %add3A_4, %get3A_3 : vector<128xf32>
    %get3A_6 = arith.constant 0 : index
    %get3A_7 = arith.constant 0 : index
    %get3A_8 = arith.constant 0 : index
    %get3A_9 = vector.load %arg2[%get3A_6, %get3A_7, %get3A_8] : memref<1x1x128xf32, #tpu.memory_space<vmem>>, vector<1x1x128xf32>
    %get3A_10 = vector.shape_cast %get3A_9 : vector<1x1x128xf32> to vector<128xf32>
    %add3A_11 = arith.addf %add3A_5, %get3A_10 : vector<128xf32>
    %rsqrt3A = math.rsqrt %add3A_11 : vector<128xf32>
    %broadcast_in_dim3A = vector.shape_cast %rsqrt3A : vector<128xf32> to vector<1x128xf32>
    %broadcast_in_dim3A_12 = vector.shape_cast %broadcast_in_dim3A : vector<1x128xf32> to vector<1x128xf32>
    %broadcast_in_dim3A_13 = vector.broadcast %broadcast_in_dim3A_12 : vector<1x128xf32> to vector<128x128xf32>
    %transpose3A = tpu.transpose %broadcast_in_dim3A_13, [1, 0] : vector<128x128xf32> -> vector<128x128xf32>
    %swap3A = arith.constant 0 : index
    %swap3A_14 = arith.constant 0 : index
    %swap3A_15 = vector.load %arg3[%swap3A, %swap3A_14] : memref<128x128xf32, #tpu.memory_space<vmem>>, vector<128x128xf32>
    tpu.vector_store %arg3[%swap3A, %swap3A_14], %transpose3A {strides = array<i32>} : memref<128x128xf32, #tpu.memory_space<vmem>>, vector<128x128xf32>,
    return
  }
  func.func @transform_0(%arg0: i32) -> (i32, i32, i32) {
    %c0_i32 = arith.constant 0 : i32
    %c0_i32_0 = arith.constant 0 : i32
    %c0_i32_1 = arith.constant 0 : i32
    return %arg0, %c0_i32, %c0_i32_0 : i32, i32, i32
  }
  func.func @transform_1(%arg0: i32) -> (i32, i32, i32) {
    %c0_i32 = arith.constant 0 : i32
    %c0_i32_0 = arith.constant 0 : i32
    %c0_i32_1 = arith.constant 0 : i32
    return %arg0, %c0_i32, %c0_i32_0 : i32, i32, i32
  }
  func.func @transform_2(%arg0: i32) -> (i32, i32) {
    %c0_i32 = arith.constant 0 : i32
    %c0_i32_0 = arith.constant 0 : i32
    return %arg0, %c0_i32 : i32, i32
  }
}

module attributes {stable_mosaic.version = 14 : i64} {
  func.func @_dense2_body(%arg0: memref<10240x128xf32, #tpu.memory_space<vmem>>, %arg1: memref<10240x128xf32, #tpu.memory_space<vmem>>, %arg2: memref<10240x128xf32, #tpu.memory_space<vmem>>, %arg3: memref<1x128xf32, #tpu.memory_space<vmem>>, %arg4: memref<128x128xf32, #tpu.memory_space<vmem>>, %arg5: memref<10000x128xf32, #tpu.memory_space<vmem>>) attributes {dimension_semantics = [], scalar_prefetch = 0 : i64, scratch_operands = 0 : i64, tpu.core_type = #tpu.core_type<tc>} {
    %get3A = arith.constant 0 : index
    %get3A_0 = arith.constant 0 : index
    %get3A_1 = vector.load %arg2[%get3A, %get3A_0] : memref<10240x128xf32, #tpu.memory_space<vmem>>, vector<10000x128xf32>
    %get3A_2 = arith.constant 0 : index
    %get3A_3 = arith.constant 0 : index
    %get3A_4 = vector.load %arg0[%get3A_2, %get3A_3] : memref<10240x128xf32, #tpu.memory_space<vmem>>, vector<10000x128xf32>
    %get3A_5 = arith.constant 0 : index
    %get3A_6 = arith.constant 0 : index
    %get3A_7 = vector.load %arg1[%get3A_5, %get3A_6] : memref<10240x128xf32, #tpu.memory_space<vmem>>, vector<10000x128xf32>
    %add3A = arith.addf %get3A_4, %get3A_7 : vector<10000x128xf32>
    %mul3A = arith.mulf %get3A_1, %add3A : vector<10000x128xf32>
    %get3A_8 = arith.constant 0 : index
    %get3A_9 = arith.constant 0 : index
    %get3A_10 = vector.load %arg3[%get3A_8, %get3A_9] : memref<1x128xf32, #tpu.memory_space<vmem>>, vector<1x128xf32>
    %add3A_11 = vector.broadcast %get3A_10 : vector<1x128xf32> to vector<10000x128xf32>
    %add3A_12 = arith.addf %mul3A, %add3A_11 : vector<10000x128xf32>
    %max3A = arith.constant 0.000000e+00 : f32
    %max3A_13 = vector.broadcast %max3A : f32 to vector<10000x128xf32>
    %max3A_14 = arith.maximumf %add3A_12, %max3A_13 : vector<10000x128xf32>
    %get3A_15 = arith.constant 0 : index
    %get3A_16 = arith.constant 0 : index
    %get3A_17 = vector.load %arg4[%get3A_15, %get3A_16] : memref<128x128xf32, #tpu.memory_space<vmem>>, vector<128x128xf32>
    %dot_general3A = arith.constant dense<0.000000e+00> : vector<10000x128xf32>
    %dot_general3A_18 = tpu.matmul %max3A_14, %get3A_17, %dot_general3A {dimension_numbers = #tpu.dot_dimension_numbers<[1], [0], [0], [1], [0, 0, 1, 1], [], []>, transpose_lhs_hint = false} : vector<10000x128xf32>, vector<128x128xf32>, vector<10000x128xf32> -> vector<10000x128xf32>
    %mul3A_19 = arith.mulf %get3A_1, %dot_general3A_18 : vector<10000x128xf32>
    %swap3A = arith.constant 0 : index
    %swap3A_20 = arith.constant 0 : index
    %swap3A_21 = vector.load %arg5[%swap3A, %swap3A_20] : memref<10000x128xf32, #tpu.memory_space<vmem>>, vector<10000x128xf32>
    tpu.vector_store %arg5[%swap3A, %swap3A_20], %mul3A_19 {strides = array<i32>} : memref<10000x128xf32, #tpu.memory_space<vmem>>, vector<10000x128xf32>,
    return
  }
}

module attributes {stable_mosaic.version = 14 : i64} {
  func.func @_dense3_body(%arg0: memref<10240x128xf32, #tpu.memory_space<vmem>>, %arg1: memref<10240x128xf32, #tpu.memory_space<vmem>>, %arg2: memref<10240x128xf32, #tpu.memory_space<vmem>>, %arg3: memref<1x128xf32, #tpu.memory_space<vmem>>, %arg4: memref<10000x128xf32, #tpu.memory_space<vmem>>) attributes {dimension_semantics = [], scalar_prefetch = 0 : i64, scratch_operands = 0 : i64, tpu.core_type = #tpu.core_type<tc>} {
    %get3A = arith.constant 0 : index
    %get3A_0 = arith.constant 0 : index
    %get3A_1 = vector.load %arg2[%get3A, %get3A_0] : memref<10240x128xf32, #tpu.memory_space<vmem>>, vector<10000x128xf32>
    %get3A_2 = arith.constant 0 : index
    %get3A_3 = arith.constant 0 : index
    %get3A_4 = vector.load %arg0[%get3A_2, %get3A_3] : memref<10240x128xf32, #tpu.memory_space<vmem>>, vector<10000x128xf32>
    %get3A_5 = arith.constant 0 : index
    %get3A_6 = arith.constant 0 : index
    %get3A_7 = vector.load %arg1[%get3A_5, %get3A_6] : memref<10240x128xf32, #tpu.memory_space<vmem>>, vector<10000x128xf32>
    %add3A = arith.addf %get3A_4, %get3A_7 : vector<10000x128xf32>
    %mul3A = arith.mulf %get3A_1, %add3A : vector<10000x128xf32>
    %get3A_8 = arith.constant 0 : index
    %get3A_9 = arith.constant 0 : index
    %get3A_10 = vector.load %arg3[%get3A_8, %get3A_9] : memref<1x128xf32, #tpu.memory_space<vmem>>, vector<1x128xf32>
    %add3A_11 = vector.broadcast %get3A_10 : vector<1x128xf32> to vector<10000x128xf32>
    %add3A_12 = arith.addf %mul3A, %add3A_11 : vector<10000x128xf32>
    %swap3A = arith.constant 0 : index
    %swap3A_13 = arith.constant 0 : index
    %swap3A_14 = vector.load %arg4[%swap3A, %swap3A_13] : memref<10000x128xf32, #tpu.memory_space<vmem>>, vector<10000x128xf32>
    tpu.vector_store %arg4[%swap3A, %swap3A_13], %add3A_12 {strides = array<i32>} : memref<10000x128xf32, #tpu.memory_space<vmem>>, vector<10000x128xf32>,
    return
  }
}

</mosaic_0001>

<sc_bundles>
// kernel: kernel.12.cloned.1.call-start
scs
__scs_entry_jumppad:
0x0: {  	(pc) =	sbr.rel $0x88, $3  }
0x1: {  	(tag) =	ssettag $0x0;
	lr =	simm.s32 $0x1  }
0x2: {  	[smem:$0x3F9B] =	sst lr;
	_ =	strace $0xD0000000  }
0x3: {  	_ = 	snop  }
0x4: {  	_ = 	snop  }
0x5: {  	_ = 	snop  }
0x6: {  	_ = 	snop  }
0x7: {  	_ = 	snop  }
__scs_overlays_trampoline_lowered:
0x8: {  	[smem:$0x3FAA] =	sst s0  }
0x9: {  	[smem:$0x3FAB] =	sst s1  }
0xa: {  	[smem:$0x3FAC] =	sst s2  }
0xb: {  	[smem:$0x3FAD] =	sst s3  }
0xc: {  	[smem:$0x3FAE] =	sst s4  }
0xd: {  	[smem:$0x3FAF] =	sst s5  }
0xe: {  	[smem:$0x3FB0] =	sst s6  }
0xf: {  	[smem:$0x3FB1] =	sst s7  }
0x10: {  	[smem:$0x3FB2] =	sst s8  }
0x11: {  	[smem:$0x3FB3] =	sst s9;
	s0 =	simm.s32 @!p0 $0x0  }
0x12: {  	s1 =	sld [smem:$0x3F99];
	s0 =	simm.s32 @p0 $0x1  }
0x13: {  	[smem:$0x3FB4] =	sst s0;
	s0 =	simm.s32 @!p1 $0x0  }
0x14: {  	s2 =	sld [smem:$0x3F98];
	s0 =	simm.s32 @p1 $0x1  }
0x15: {  	[smem:$0x3FB5] =	sst s0;
	s0 =	simm.s32 @!p2 $0x0  }
0x16: {  	s3 =	sld [smem:$0x3FDB];
	s0 =	simm.s32 @p2 $0x1  }
0x17: {  	s4 =	simm.s32 $0x1BF5;
	[smem:$0x3FB7] =	sst s0  }
0x18: {  	s0 =	sld [smem:$0x3F9A];
	_ =	swait.ge [sflag:s4], $0x0  }
0x19: {  	s7 =	sld [smem:$0x3F9B]  }
0x1a: {  	s8 =	sadd.s32 $0xFFFFE003, lr  }
0x1b: {  	s9 =	sadd.s32 $0xFFFFFEF7, lr;
	s5 =	simm.s32 $0xFFFFFFFF;
	p2 =	slt.u32 s8, $0xFFFFF086  }
0x1c: {  	p1 =	slt.u32 s9, $0xF7A;
	s5 =	simm.s32 @!p2 $0x0  }
0x1d: {  	s5 =	simm.s32 @p1 $0x1;
	p0 =	seq.s32 s7, s2  }
0x1e: {  	s7 =	smul.u32 @!p0 $0xF7A, s2;
	p2 =	seq.s32 @!p0 s5, $0x0  }
0x1f: {  	s9 =	smul.u32 $0xF7A, s1;
	s8 =	simm.s32 @!p0 $0x1BF5;
	p2 =	por !p2, p0  }
0x20: {  	[sflag:s8] =	ssyncset.s32 @!p0 $0xFFFFF086;
	s6 =	sadd.s32 @!p0 s3, s7;
	s7 =	simm.s32 @!p0 $0x108  }
0x21: {  	s3 =	sadd.s32 s3, s9;
	s6 =	sadd.s32 @!p0 $0x88, s6;
	s7 =	simm.s32 @p2 $0x1082  }
0x22: {  	[simem:s7], [sflag:s8] =	dma.local @!p0 [hbm:s6], $0xF7A  }
0x23: {  	s9 =	sor.u32 $0xD0000000, s2;
	s6 =	simm.s32 $0x108;
	_ =	swait.ge @!p0 [sflag:s8], $0x0  }
0x24: {  	s3 =	sadd.s32 $0x88, s3;
	s6 =	simm.s32 @!p1 $0x1082;
	[sflag:s4] =	ssyncset.s32 $0xFFFFF086  }
0x25: {  	[simem:s6], [sflag:s4] =	dma.local [hbm:s3], $0xF7A  }
0x26: {  	[smem:$0x3F9B] =	sst s1;
	(tag) =	ssettag s2;
	_ =	strace s9  }
0x27: {  	s1 =	sld [smem:$0x3FAB]  }
0x28: {  	s2 =	sld [smem:$0x3FAC]  }
0x29: {  	s4 =	sld [smem:$0x3FAE]  }
0x2a: {  	p0 =	seq.s32 s5, $0x0;
	s5 =	sld [smem:$0x3FAF]  }
0x2b: {  	s6 =	sld [smem:$0x3FB0]  }
0x2c: {  	s7 =	sld [smem:$0x3FB1]  }
0x2d: {  	s3 =	simm.s32 $0x108;
	s8 =	sld [smem:$0x3FB2]  }
0x2e: {  	s3 =	simm.s32 @!p0 $0x1082;
	s9 =	sld [smem:$0x3FB3]  }
0x2f: {  	lr =	sadd.s32 s0, s3;
	s0 =	sld [smem:$0x3FAA]  }
0x30: {  	s3 =	sld [smem:$0x3FAD]  }
0x31: {  	[smem:$0x3FB6] =	sst s10  }
0x32: {  	s10 =	sld [smem:$0x3FB4];
	_ =	sdelay $0x3  }
0x33: {  	p0 =	seq.s32 s10, $0x1;
	s10 =	sld [smem:$0x3FB6];
	_ =	sdelay $0x3  }
0x34: {  	[smem:$0x3FB6] =	sst s10  }
0x35: {  	s10 =	sld [smem:$0x3FB5];
	_ =	sdelay $0x3  }
0x36: {  	p1 =	seq.s32 s10, $0x1;
	s10 =	sld [smem:$0x3FB6];
	_ =	sdelay $0x3  }
0x37: {  	[smem:$0x3FB6] =	sst s10  }
0x38: {  	s10 =	sld [smem:$0x3FB7]  }
0x39: {  	_ = 	snop;
	(pc) =	sbr.ind lr, $3  }
0x3a: {  	_ = 	snop  }
0x3b: {  	_ = 	snop  }
0x3c: {  	p2 =	seq.s32 s10, $0x1;
	s10 =	sld [smem:$0x3FB6]  }
0x3d: {  	_ =	shalt  }
0x3e: {  	_ =	shalt  }
0x3f: {  	_ =	shalt  }
0x40: {  	_ =	shalt  }
0x41: {  	_ =	shalt  }
0x42: {  	_ =	shalt  }
0x43: {  	_ =	shalt  }
0x44: {  	_ =	shalt  }
0x45: {  	_ =	shalt  }
0x46: {  	_ =	shalt  }
0x47: {  	_ =	shalt  }
0x48: {  	_ =	shalt  }
0x49: {  	_ =	shalt  }
0x4a: {  	_ =	shalt  }
0x4b: {  	_ =	shalt  }
0x4c: {  	_ =	shalt  }
0x4d: {  	_ =	shalt  }
0x4e: {  	_ =	shalt  }
0x4f: {  	_ =	shalt  }
0x50: {  	_ =	shalt  }
0x51: {  	_ =	shalt  }
0x52: {  	_ =	shalt  }
0x53: {  	_ =	shalt  }
0x54: {  	_ =	shalt  }
0x55: {  	_ =	shalt  }
0x56: {  	_ =	shalt  }
0x57: {  	_ =	shalt  }
0x58: {  	_ =	shalt  }
0x59: {  	_ =	shalt  }
0x5a: {  	_ =	shalt  }
0x5b: {  	_ =	shalt  }
0x5c: {  	_ =	shalt  }
0x5d: {  	_ =	shalt  }
0x5e: {  	_ =	shalt  }
0x5f: {  	_ =	shalt  }
0x60: {  	_ =	shalt  }
0x61: {  	_ =	shalt  }
0x62: {  	_ =	shalt  }
0x63: {  	_ =	shalt  }
0x64: {  	_ =	shalt  }
0x65: {  	_ =	shalt  }
0x66: {  	_ =	shalt  }
0x67: {  	_ =	shalt  }
0x68: {  	_ =	shalt  }
0x69: {  	_ =	shalt  }
0x6a: {  	_ =	shalt  }
0x6b: {  	_ =	shalt  }
0x6c: {  	_ =	shalt  }
0x6d: {  	_ =	shalt  }
0x6e: {  	_ =	shalt  }
0x6f: {  	_ =	shalt  }
0x70: {  	_ =	shalt  }
0x71: {  	_ =	shalt  }
0x72: {  	_ =	shalt  }
0x73: {  	_ =	shalt  }
0x74: {  	_ =	shalt  }
0x75: {  	_ =	shalt  }
0x76: {  	_ =	shalt  }
0x77: {  	_ =	shalt  }
0x78: {  	_ =	shalt  }
0x79: {  	_ =	shalt  }
0x7a: {  	_ =	shalt  }
0x7b: {  	_ =	shalt  }
0x7c: {  	_ =	shalt  }
0x7d: {  	_ =	shalt  }
0x7e: {  	_ =	shalt  }
0x7f: {  	_ =	shalt  }
0x80: {  	_ =	shalt  }
0x81: {  	_ =	shalt  }
0x82: {  	_ =	shalt  }
0x83: {  	_ =	shalt  }
0x84: {  	_ =	shalt  }
0x85: {  	_ =	shalt  }
0x86: {  	_ =	shalt  }
0x87: {  	_ =	shalt  }
.Lfunc_end0:
.L_simem_size_0:
called_computation.1_lowered:
.L_overlay_start_0:
0x88: {  	s2 =	sld [smem:$0x3FD9]  }
0x89: {  	s3 =	sld [smem:$0x3FFE];
	_ =	sdelay $0x1  }
0x8a: {  	s1 =	srdreg.scid  }
0x8b: {  	s0 =	sand.u32 $0x1, s1  }
0x8c: {  	s17 =	sshll.u32 s0, $0xA;
	s2 =	sadd.s32 s3, s2  }
0x8d: {  	s2 =	sadd.s32 s2, s17  }
0x8e: {  	[smem:$0x3FC2] =	sst s2  }
0x8f: {  	_ = 	snop  }
0x90: {  	s2 =	sld [smem:$0x3FD0];
	(tm) =	ssettm $0x1  }
0x91: {  	s18 =	sld [smem:$0x3FFB];
	_ =	sdelay $0x3  }
0x92: {  	_ =	strace s18  }
0x93: {  	s3 =	sld [smem:$0x3FFC];
	_ =	sdelay $0x3  }
0x94: {  	_ =	strace s3  }
0x95: {  	s3 =	sld [smem:$0x3FFD];
	_ =	sdelay $0x3  }
0x96: {  	_ =	strace s3  }
0x97: {  	_ =	strace $0x8FFFFFFF  }
0x98: {  	s19 =	sld [smem:$0x3FDB];
	_ =	sdelay $0x1  }
0x99: {  	s4 =	simm.s32 $_scs_section_size  }
0x9a: {  	s5 =	simm.s32 $_size__tile_overlayer_lowered;
	s6 =	simm.s32 $_tile_overlayer_lowered  }
0x9b: {  	s22 =	simm.s32 $0x1BFF;
	s21 =	sshll.u32 s6, $0x1;
	s3 =	sadd.s32 s4, s19  }
0x9c: {  	s7 =	simm.s32 $0x0;
	s20 =	sshll.u32 s5, $0x1;
	s5 =	sadd.s32 s21, s3  }
0x9d: {  	[timem:s7], [sflag:s22] =	dma.local [hbm:s5], s20  }
0x9e: {  	_ =	swait.ge [sflag:s22], s20  }
0x9f: {  	s4 =	ssub.s32 $0x0, s20;
	[sflag:s22] =	ssyncset.done $0x0  }
0xa0: {  	[sflag:s22] =	ssyncadd.s32 s4;
	_ =	sdelay $0x1  }
0xa1: {  	s23 =	simm.s32 $0x1B8B  }
0xa2: {  	_ =	swait.ge [sflag:s23], $0x1  }
0xa3: {  	[sflag:s23] =	ssyncset.done $0x0  }
0xa4: {  	s25 =	simm.s32 $0x1B8E;
	s24 =	sld [smem:$0x3FFE];
	[sflag:s23] =	ssyncadd.s32 $0xFFFFFFFF  }
0xa5: {  	s26 =	simm.s32 $execute0_lowered;
	[smem:$0x3FD2] =	sst s25  }
0xa6: {  	s5 =	sshll.u32 s26, $0x1;
	_ =	strace $0x80000049;
	[dreg:$0x1] =	wrdreg $0xFFFFFFFF  }
0xa7: {  	s28 =	simm.s32 $_size_execute0_lowered;
	s3 =	sadd.s32 s3, s5;
	[dreg:$0x0] =	wrdreg $0x0  }
0xa8: {  	s5 =	sshll.u32 s28, $0x1;
	[dreg:$0x2] =	wrdreg s3  }
0xa9: {  	[dreg:$0x3] =	wrdreg s5  }
0xaa: {  	[dreg:$0x4] =	wrdreg $0xC0  }
0xab: {  	_ =	task [dreg:s7], $0x5FFFF  }
0xac: {  	[dreg:$0x1] =	wrdreg $0xFFFFFFFF  }
0xad: {  	[dreg:$0x0] =	wrdreg $0x60  }
0xae: {  	[dreg:$0x2] =	wrdreg s24  }
0xaf: {  	[dreg:$0x3] =	wrdreg s2  }
0xb0: {  	[dreg:$0x4] =	wrdreg $0x41000  }
0xb1: {  	[dreg:$0x5] =	wrdreg $0x9  }
0xb2: {  	_ =	task.clear_ibuf [dreg:s7], $0x6FFFF;
	_ =	strace $0x90000049  }
0xb3: {  	s29 =	simm.s32 $0x9;
	_ =	strace $0x8000004B  }
0xb4: {  	_ =	swait.ge [sflag:s29], $0x1  }
0xb5: {  	[sflag:s29] =	ssyncadd.s32 $0xFFFFFFFF  }
0xb6: {  	_ =	strace $0x9000004B  }
0xb7: {  	_ =	sfence  }
0xb8: {  	s30 =	sld [smem:$0x0];
	_ =	sdelay $0x2  }
0xb9: {  	s31 =	sshll.u32 s1, $0xD;
	s1 =	sshrl.u32 s1, $0x2  }
0xba: {  	s3 =	sand.u32 $0x4000, s31;
	s1 =	sadd.s32 s1, s30  }
0xbb: {  	s0 =	sor.u32 s3, s0;
	s1 =	sshll.u32 s1, $0x11  }
0xbc: {  	s0 =	sor.u32 s1, s0  }
0xbd: {  	s0 =	sadd.s32 $0x8F2B, s0  }
0xbe: {  	[sflag:s0] =	ssyncadd.remote.s32 $0x1  }
0xbf: {  	_ =	sfence.sel $0xFFFF  }
0xc0: {  	[dreg:$0x0] =	wrdreg $0xFFFFFFFF;
	(pc) =	sbr.abs _section_cstart, $3  }
0xc1: {  	[dreg:$0x1] =	wrdreg $0xFFFFFFFF  }
0xc2: {  	_ =	task.clear_ibuf [dreg:s7], $0x2FFFF;
	_ =	strace $0x9FFFFFFF  }
0xc3: {  	(tm) =	ssettm $0x7FFFFFFF  }
tec
execute0_lowered:
.L_overlay_start_1:
0x0: {  	(tag) =	ssettag $0x1  }
0x1: {  	s9 =	rddreg [dreg:$0x0]  }
0x2: {  	s1 =	rddreg [dreg:$0x1]  }
0x3: {  	s2 =	rddreg [dreg:$0x2]  }
0x4: {  	s3 =	srdreg.scid;
	s0 =	rddreg [dreg:$0x3];
	s4 =	simm.s32 $0x0  }
0x5: {  	s21 =	simm.s32 $0x80;
	s22 =	simm.s32 $0x100;
	s16 =	sand.u32 $0x1, s3  }
0x6: {  	s23 =	simm.s32 $0x1;
	s3 =	stileid.u32;
	s5 =	smul.u32 $0x140000, s16  }
0x7: {  	s24 =	simm.s32 $0x0;
	[smem:$0x7FF] =	sst s4;
	s6 =	smul.u32 $0x14000, s3  }
0x8: {  	s15 =	sadd.s32 $0xC200, s9;
	s14 =	sadd.s32 $0x1E00, s9;
	s7 =	smul.u32 $0x2800, s3  }
0x9: {  	s17 =	sadd.s32 $0x12C000, s2;
	s18 =	sadd.s32 $0x138800, s2;
	s30 =	smul.u32 $0x50000, s3  }
0xa: {  	_ =	strace $0x8000004A;
	s10 =	ssub.s32 $0x2, s16;
	s13 =	smul.u32 $0x2E0, s3  }
0xb: {  	s20 =	smul.u32 $0x700, s3;
	p0 =	seq.s32 s3, $0xF;
	p1 =	sne.s32 s16, $0x0  }
0xc: {  	s31 =	sshrl.u32 s10, $0x1;
	s16 =	sshrl.u32 @p0 s17, $0x3;
	s17 =	sshrl.u32 @p0 s18, $0x3  }
0xd: {  	s5 =	sadd.s32 s6, s5;
	s8 =	sadd.s32 s7, s9;
	s6 =	sshrl.u32 s30, $0x2  }
0xe: {  	s12 =	ssub.s32 s10, s31;
	s7 =	sadd.s32 s1, s7;
	s19 =	sadd.s32 s13, s14  }
0xf: {  	s13 =	sadd.s32 s13, s15;
	s14 =	sadd.s32 s20, s14;
	s15 =	sadd.s32 s20, s15  }
.Ltmp0:
0x10: {  	s20 =	simm.s32 $0x2;
	s5 =	sshrl.u32 s5, $0x3;
	(pc) =	sbr.rel .LBB2_1-.Ltmp0, $4  }
0x11: {  	s13 =	sadd.s32 $0x7000, s13;
	s11 =	sadd.s32 s5, s9;
	s5 =	sadd.s32 s6, s2  }
0x12: {  	s6 =	sadd.s32 $0x16000, s8;
	s8 =	sadd.s32 $0x25800, s1;
	s10 =	sadd.s32 $0x3E000, s11  }
0x13: {  	s11 =	smax.u32 s12, $0x1;
	s12 =	sadd.s32 $0x7000, s19;
	s19 =	sshll.u32 @!p0 s3, $0x6  }
0x14: {  	s9 =	sadd.s32 $0x3D100, s9;
	s18 =	sor.u32 @!p0 $0x1C02, s19;
	s19 =	sshrl.u32 @!p0 s5, $0x3  }
.LBB2_7:
0x15: {  	s26 =	sadd.s32 s25, s13;
	[sflag:s20] =	ssyncadd.s32 $0xFFFFC000  }
0x16: {  	[tilespmem:s4], [sflag:$0x2] =	stream.linear.gather [hbm4b:s26+s4], $0x80, $0x38;
	[tilespmem:$0x18100] =	vst v63  }
0x17: {  	_ =	swait.ge [sflag:s20], $0x80  }
0x18: {  	[sflag:s20] =	ssyncset.done $0x0  }
0x19: {  	s31 =	sadd.s32 s25, s12;
	[sflag:s20] =	ssyncadd.s32 $0xFFFFFF80  }
0x1a: {  	[tilespmem:s21], [sflag:$0x2] =	stream.linear.gather [hbm4b:s31+s4], $0x80, $0x38;
	[tilespmem:$0x18100] =	vst v63  }
0x1b: {  	_ =	swait.ge [sflag:s20], $0x80  }
0x1c: {  	[sflag:s20] =	ssyncset.done $0x0  }
0x1d: {  	[sflag:s20] =	ssyncadd.s32 $0xFFFFFF80  }
0x1e: {  	[tilespmem:s22], [sflag:$0x1] =	stream.indirect.gather [hbm4b:s1+s21], $0x80, s4, s21, $0xb8;
	[tilespmem:$0x18100] =	vst v63  }
0x1f: {  	_ =	swait.ge [sflag:s23], $0x4000  }
0x20: {  	[sflag:s23] =	ssyncset.done $0x0  }
0x21: {  	[sflag:s23] =	ssyncadd.s32 $0xFFFFC000  }
0x22: {  	[spmem:s2] =	stream.indirect.scatter.add.f32 [tilespmem:s22], [sflag:$0x2], $0x80, s21, s21, $0xb8;
	[tilespmem:$0x18100] =	vst v63  }
0x23: {  	_ =	swait.ge [sflag:s20], $0x4000  }
0x24: {  	[sflag:s20] =	ssyncset.done $0x0  }
0x25: {  	[sflag:s20] =	ssyncadd.s32 $0xFFFFC000  }
.LBB2_8:
0x26: {  	s24 =	sadd.s32 $0x1, s24  }
0x27: {  	s25 =	sshll.u32 s3, $0x6;
	[bflag:$0x0] =	sbarrier.arrive $0xFFFF;
	p2 =	sne.s32 s24, s11  }
.Ltmp1:
0x28: {  	s26 =	sshrl.u32 s5, $0x3;
	s25 =	sor.u32 $0x1C02, s25;
	(pc) =	sbr.rel @!p2 .LBB2_9-.Ltmp1, $4  }
0x29: {  	[hbm:s10], [sflag:s25] =	dma.local [spmem:s26], $0x2800  }
0x2a: {  	_ =	swait.ge [sflag:s20], $0x2800  }
0x2b: {  	[sflag:s20] =	ssyncset.done $0x0  }
0x2c: {  	[sflag:s20] =	ssyncadd.s32 $0xFFFFD800  }
.LBB2_1:
.Ltmp2:
0x2d: {  	(pc) =	sbr.rel @p1 .LBB2_5-.Ltmp2, $1  }
0x2e: {  	_ =	sdelay $0x3  }
0x2f: {  	s25 =	simm.s32 @p0 $0x1FC2;
	s26 =	simm.s32 @p0 $0x2  }
0x30: {  	[spmem:s16], [sflag:s25] =	dma.local @p0 [hbm:s8], $0x1900  }
0x31: {  	_ =	swait.ge @p0 [sflag:s26], $0x1900  }
0x32: {  	[sflag:s26] =	ssyncset.done @p0 $0x0  }
0x33: {  	[sflag:s26] =	ssyncadd.s32 @p0 $0xFFFFE700  }
0x34: {  	[spmem:s17], [sflag:s25] =	dma.local @p0 [hbm:s9], $0xF00  }
0x35: {  	_ =	swait.ge @p0 [sflag:s26], $0xF00  }
0x36: {  	[sflag:s26] =	ssyncset.done @p0 $0x0  }
0x37: {  	s25 =	simm.s32 @!p0 $0x2;
	[sflag:s26] =	ssyncadd.s32 @p0 $0xFFFFF100  }
0x38: {  	[spmem:s19], [sflag:s18] =	dma.local @!p0 [hbm:s7], $0x2800  }
0x39: {  	_ =	swait.ge @!p0 [sflag:s25], $0x2800  }
0x3a: {  	[sflag:s25] =	ssyncset.done @!p0 $0x0  }
0x3b: {  	[sflag:s25] =	ssyncadd.s32 @!p0 $0xFFFFD800  }
0x3c: {  	s30 =	sadd.s32 $0x0, s15;
	[bflag:$0x0] =	sbarrier.arrive $0xFFFF  }
0x3d: {  	[tilespmem:s4], [sflag:$0x2] =	stream.linear.gather [hbm4b:s30+s4], $0x80, $0x38;
	[tilespmem:$0x18100] =	vst v63  }
0x3e: {  	_ =	swait.ge [sflag:s20], $0x80  }
0x3f: {  	[sflag:s20] =	ssyncset.done $0x0  }
0x40: {  	s31 =	sadd.s32 $0x0, s14;
	[sflag:s20] =	ssyncadd.s32 $0xFFFFFF80  }
0x41: {  	[tilespmem:s21], [sflag:$0x2] =	stream.linear.gather [hbm4b:s31+s4], $0x80, $0x38;
	[tilespmem:$0x18100] =	vst v63  }
0x42: {  	_ =	swait.ge [sflag:s20], $0x80  }
0x43: {  	[sflag:s20] =	ssyncset.done $0x0  }
0x44: {  	[sflag:s20] =	ssyncadd.s32 $0xFFFFFF80  }
0x45: {  	[tilespmem:s22], [sflag:$0x1] =	stream.indirect.gather [hbm4b:s1+s21], $0x80, s4, s21, $0xb8;
	[tilespmem:$0x18100] =	vst v63  }
0x46: {  	_ =	swait.ge [sflag:s23], $0x4000  }
0x47: {  	[sflag:s23] =	ssyncset.done $0x0  }
0x48: {  	[sflag:s23] =	ssyncadd.s32 $0xFFFFC000  }
0x49: {  	[spmem:s2] =	stream.indirect.scatter.add.f32 [tilespmem:s22], [sflag:$0x2], $0x80, s21, s21, $0xb8;
	[tilespmem:$0x18100] =	vst v63  }
0x4a: {  	_ =	swait.ge [sflag:s20], $0x4000  }
0x4b: {  	s26 =	simm.s32 $0x20;
	s25 =	simm.s32 $0x10;
	[sflag:s20] =	ssyncset.done $0x0  }
.LBB2_3:
0x4c: {  	s28 =	sadd.s32 s25, s15  }
0x4d: {  	[sflag:s20] =	ssyncadd.s32 $0xFFFFC000;
	s29 =	smov.u32 s26;
	s30 =	sadd.s32 $0x10, s26  }
0x4e: {  	[tilespmem:s4], [sflag:$0x2] =	stream.linear.gather [hbm4b:s28+s4], $0x80, $0x38;
	[tilespmem:$0x18100] =	vst v63  }
0x4f: {  	p2 =	seq.s32 s26, $0x6F0;
	_ =	swait.ge [sflag:s20], $0x80  }
0x50: {  	[sflag:s20] =	ssyncset.done $0x0  }
0x51: {  	s26 =	sadd.s32 s25, s14;
	s25 =	smov.u32 s29;
	[sflag:s20] =	ssyncadd.s32 $0xFFFFFF80  }
0x52: {  	[tilespmem:s21], [sflag:$0x2] =	stream.linear.gather [hbm4b:s26+s4], $0x80, $0x38;
	[tilespmem:$0x18100] =	vst v63  }
0x53: {  	_ =	swait.ge [sflag:s20], $0x80  }
0x54: {  	[sflag:s20] =	ssyncset.done $0x0  }
0x55: {  	[sflag:s20] =	ssyncadd.s32 $0xFFFFFF80  }
0x56: {  	[tilespmem:s22], [sflag:$0x1] =	stream.indirect.gather [hbm4b:s1+s21], $0x80, s4, s21, $0xb8;
	[tilespmem:$0x18100] =	vst v63  }
0x57: {  	_ =	swait.ge [sflag:s23], $0x4000  }
.Ltmp3:
0x58: {  	[sflag:s23] =	ssyncset.done $0x0;
	(pc) =	sbr.rel @!p2 .LBB2_3-.Ltmp3, $4  }
0x59: {  	[sflag:s23] =	ssyncadd.s32 $0xFFFFC000  }
0x5a: {  	[spmem:s2] =	stream.indirect.scatter.add.f32 [tilespmem:s22], [sflag:$0x2], $0x80, s21, s21, $0xb8;
	[tilespmem:$0x18100] =	vst v63  }
0x5b: {  	_ =	swait.ge [sflag:s20], $0x4000  }
0x5c: {  	s26 =	smov.u32 s30;
	[sflag:s20] =	ssyncset.done $0x0  }
0x5d: {  	s26 =	sadd.s32 s25, s15;
	[sflag:s20] =	ssyncadd.s32 $0xFFFFC000  }
0x5e: {  	[tilespmem:s4], [sflag:$0x2] =	stream.linear.gather [hbm4b:s26+s4], $0x80, $0x38;
	[tilespmem:$0x18100] =	vst v63  }
0x5f: {  	_ =	swait.ge [sflag:s20], $0x80  }
0x60: {  	[sflag:s20] =	ssyncset.done $0x0  }
0x61: {  	s31 =	sadd.s32 s25, s14;
	[sflag:s20] =	ssyncadd.s32 $0xFFFFFF80  }
0x62: {  	[tilespmem:s21], [sflag:$0x2] =	stream.linear.gather [hbm4b:s31+s4], $0x80, $0x38;
	[tilespmem:$0x18100] =	vst v63  }
0x63: {  	_ =	swait.ge [sflag:s20], $0x80  }
0x64: {  	[sflag:s20] =	ssyncset.done $0x0  }
0x65: {  	[sflag:s20] =	ssyncadd.s32 $0xFFFFFF80  }
0x66: {  	[tilespmem:s22], [sflag:$0x1] =	stream.indirect.gather [hbm4b:s1+s21], $0x80, s4, s21, $0xb8;
	[tilespmem:$0x18100] =	vst v63  }
0x67: {  	_ =	swait.ge [sflag:s23], $0x4000  }
0x68: {  	[sflag:s23] =	ssyncset.done $0x0  }
.Ltmp4:
0x69: {  	[sflag:s23] =	ssyncadd.s32 $0xFFFFC000;
	(pc) =	sbr.rel .LBB2_8-.Ltmp4, $4  }
0x6a: {  	[spmem:s2] =	stream.indirect.scatter.add.f32 [tilespmem:s22], [sflag:$0x2], $0x80, s21, s21, $0xb8;
	[tilespmem:$0x18100] =	vst v63  }
0x6b: {  	_ =	swait.ge [sflag:s20], $0x4000  }
0x6c: {  	[sflag:s20] =	ssyncset.done $0x0  }
0x6d: {  	[sflag:s20] =	ssyncadd.s32 $0xFFFFC000  }
.LBB2_5:
0x6e: {  	s25 =	sshll.u32 s3, $0x6  }
0x6f: {  	s26 =	sshrl.u32 s5, $0x3;
	s25 =	sor.u32 $0x1C02, s25  }
0x70: {  	[spmem:s26], [sflag:s25] =	dma.local [hbm:s6], $0x2800  }
0x71: {  	_ =	swait.ge [sflag:s20], $0x2800  }
0x72: {  	[sflag:s20] =	ssyncset.done $0x0  }
0x73: {  	[sflag:s20] =	ssyncadd.s32 $0xFFFFD800  }
0x74: {  	s30 =	sadd.s32 $0x0, s13;
	[bflag:$0x0] =	sbarrier.arrive $0xFFFF  }
0x75: {  	[tilespmem:s4], [sflag:$0x2] =	stream.linear.gather [hbm4b:s30+s4], $0x80, $0x38;
	[tilespmem:$0x18100] =	vst v63  }
0x76: {  	_ =	swait.ge [sflag:s20], $0x80  }
0x77: {  	[sflag:s20] =	ssyncset.done $0x0  }
0x78: {  	s31 =	sadd.s32 $0x0, s12;
	[sflag:s20] =	ssyncadd.s32 $0xFFFFFF80  }
0x79: {  	[tilespmem:s21], [sflag:$0x2] =	stream.linear.gather [hbm4b:s31+s4], $0x80, $0x38;
	[tilespmem:$0x18100] =	vst v63  }
0x7a: {  	_ =	swait.ge [sflag:s20], $0x80  }
0x7b: {  	[sflag:s20] =	ssyncset.done $0x0  }
0x7c: {  	[sflag:s20] =	ssyncadd.s32 $0xFFFFFF80  }
0x7d: {  	[tilespmem:s22], [sflag:$0x1] =	stream.indirect.gather [hbm4b:s1+s21], $0x80, s4, s21, $0xb8;
	[tilespmem:$0x18100] =	vst v63  }
0x7e: {  	_ =	swait.ge [sflag:s23], $0x4000  }
0x7f: {  	[sflag:s23] =	ssyncset.done $0x0  }
0x80: {  	[sflag:s23] =	ssyncadd.s32 $0xFFFFC000  }
0x81: {  	[spmem:s2] =	stream.indirect.scatter.add.f32 [tilespmem:s22], [sflag:$0x2], $0x80, s21, s21, $0xb8;
	[tilespmem:$0x18100] =	vst v63  }
0x82: {  	_ =	swait.ge [sflag:s20], $0x4000  }
0x83: {  	s25 =	simm.s32 $0x10;
	s26 =	simm.s32 $0x20;
	[sflag:s20] =	ssyncset.done $0x0  }
.LBB2_6:
0x84: {  	s28 =	sadd.s32 s25, s13  }
0x85: {  	[sflag:s20] =	ssyncadd.s32 $0xFFFFC000;
	s29 =	smov.u32 s26;
	s30 =	sadd.s32 $0x10, s26  }
0x86: {  	[tilespmem:s4], [sflag:$0x2] =	stream.linear.gather [hbm4b:s28+s4], $0x80, $0x38;
	[tilespmem:$0x18100] =	vst v63  }
0x87: {  	p2 =	sne.s32 s26, $0x2D0;
	_ =	swait.ge [sflag:s20], $0x80  }
0x88: {  	[sflag:s20] =	ssyncset.done $0x0  }
0x89: {  	s26 =	sadd.s32 s25, s12;
	s25 =	smov.u32 s29;
	[sflag:s20] =	ssyncadd.s32 $0xFFFFFF80  }
0x8a: {  	[tilespmem:s21], [sflag:$0x2] =	stream.linear.gather [hbm4b:s26+s4], $0x80, $0x38;
	[tilespmem:$0x18100] =	vst v63  }
0x8b: {  	_ =	swait.ge [sflag:s20], $0x80  }
0x8c: {  	[sflag:s20] =	ssyncset.done $0x0  }
0x8d: {  	[sflag:s20] =	ssyncadd.s32 $0xFFFFFF80  }
0x8e: {  	[tilespmem:s22], [sflag:$0x1] =	stream.indirect.gather [hbm4b:s1+s21], $0x80, s4, s21, $0xb8;
	[tilespmem:$0x18100] =	vst v63  }
0x8f: {  	_ =	swait.ge [sflag:s23], $0x4000  }
.Ltmp5:
0x90: {  	[sflag:s23] =	ssyncset.done $0x0;
	(pc) =	sbr.rel @p2 .LBB2_6-.Ltmp5, $4  }
0x91: {  	[sflag:s23] =	ssyncadd.s32 $0xFFFFC000  }
0x92: {  	[spmem:s2] =	stream.indirect.scatter.add.f32 [tilespmem:s22], [sflag:$0x2], $0x80, s21, s21, $0xb8;
	[tilespmem:$0x18100] =	vst v63  }
0x93: {  	_ =	swait.ge [sflag:s20], $0x4000  }
0x94: {  	s26 =	smov.u32 s30;
	[sflag:s20] =	ssyncset.done $0x0  }
.Ltmp6:
0x95: {  	_ = 	snop;
	(pc) =	sbr.rel .LBB2_7-.Ltmp6, $1  }
0x96: {  	_ =	sdelay $0x3  }
.LBB2_9:
0x97: {  	_ =	sfence.sel $0x180000  }
0x98: {  	[bflag:$0x0] =	sbarrier.arrive $0xFFFF  }
0x99: {  	p0 =	sne.s32 s3, $0x0;
	_ =	strace $0x9000004A  }
0x9a: {  	s0 =	sadd.s32 @!p0 $0x100000, s0;
	[bflag:$0x2] =	sbarrier.arrive $0xFFFF  }
0x9b: {  	[sflag:s0] =	ssyncadd.tile.s32 @!p0 $0x1;
	_ =	shalt  }
.Lfunc_end2:
_tile_overlayer_lowered:
.L_overlay_start_2:
0x9c: {  	(tag) =	ssettag $0x2  }
0x9d: {  	s0 =	rddreg [dreg:$0x0];
	s2 =	stileid.u32  }
0x9e: {  	s1 =	rddreg [dreg:$0x1];
	p0 =	sne.s32 s2, $0x0  }
0x9f: {  	s3 =	rddreg [dreg:$0x2];
	[bflag:$0x3] =	sbarrier.arrive $0xFFFF;
	s2 =	simm.s32 @!p0 $0x1C02  }
0xa0: {  	[timem:s3], [sflag:s2] =	dma.local @!p0 [hbm:s0], s1  }
0xa1: {  	s0 =	simm.s32 @!p0 $0x2  }
0xa2: {  	_ =	swait.ge @!p0 [sflag:s0], s1  }
0xa3: {  	s1 =	ssub.s32 @!p0 $0x0, s1;
	[sflag:s0] =	ssyncset.done @!p0 $0x0  }
0xa4: {  	[sflag:s0] =	ssyncadd.s32 @!p0 s1  }
0xa5: {  	[bflag:$0x3] =	sbarrier.arrive $0xFFFF  }
0xa6: {  	_ =	shalt  }

// kernel: kernel.15.cloned.1.call-start
scs
__scs_entry_jumppad:
0x0: {  	(pc) =	sbr.rel $0x88, $3  }
0x1: {  	(tag) =	ssettag $0x0;
	lr =	simm.s32 $0x1  }
0x2: {  	[smem:$0x3F9B] =	sst lr;
	_ =	strace $0xD0000000  }
0x3: {  	_ = 	snop  }
0x4: {  	_ = 	snop  }
0x5: {  	_ = 	snop  }
0x6: {  	_ = 	snop  }
0x7: {  	_ = 	snop  }
__scs_overlays_trampoline_lowered:
0x8: {  	[smem:$0x3FAA] =	sst s0  }
0x9: {  	[smem:$0x3FAB] =	sst s1  }
0xa: {  	[smem:$0x3FAC] =	sst s2  }
0xb: {  	[smem:$0x3FAD] =	sst s3  }
0xc: {  	[smem:$0x3FAE] =	sst s4  }
0xd: {  	[smem:$0x3FAF] =	sst s5  }
0xe: {  	[smem:$0x3FB0] =	sst s6  }
0xf: {  	[smem:$0x3FB1] =	sst s7  }
0x10: {  	[smem:$0x3FB2] =	sst s8  }
0x11: {  	[smem:$0x3FB3] =	sst s9;
	s0 =	simm.s32 @!p0 $0x0  }
0x12: {  	s1 =	sld [smem:$0x3F99];
	s0 =	simm.s32 @p0 $0x1  }
0x13: {  	[smem:$0x3FB4] =	sst s0;
	s0 =	simm.s32 @!p1 $0x0  }
0x14: {  	s2 =	sld [smem:$0x3F98];
	s0 =	simm.s32 @p1 $0x1  }
0x15: {  	[smem:$0x3FB5] =	sst s0;
	s0 =	simm.s32 @!p2 $0x0  }
0x16: {  	s3 =	sld [smem:$0x3FDB];
	s0 =	simm.s32 @p2 $0x1  }
0x17: {  	s4 =	simm.s32 $0x1BF5;
	[smem:$0x3FB7] =	sst s0  }
0x18: {  	s0 =	sld [smem:$0x3F9A];
	_ =	swait.ge [sflag:s4], $0x0  }
0x19: {  	s7 =	sld [smem:$0x3F9B]  }
0x1a: {  	s8 =	sadd.s32 $0xFFFFE003, lr  }
0x1b: {  	s9 =	sadd.s32 $0xFFFFFEF7, lr;
	s5 =	simm.s32 $0xFFFFFFFF;
	p2 =	slt.u32 s8, $0xFFFFF086  }
0x1c: {  	p1 =	slt.u32 s9, $0xF7A;
	s5 =	simm.s32 @!p2 $0x0  }
0x1d: {  	s5 =	simm.s32 @p1 $0x1;
	p0 =	seq.s32 s7, s2  }
0x1e: {  	s7 =	smul.u32 @!p0 $0xF7A, s2;
	p2 =	seq.s32 @!p0 s5, $0x0  }
0x1f: {  	s9 =	smul.u32 $0xF7A, s1;
	s8 =	simm.s32 @!p0 $0x1BF5;
	p2 =	por !p2, p0  }
0x20: {  	[sflag:s8] =	ssyncset.s32 @!p0 $0xFFFFF086;
	s6 =	sadd.s32 @!p0 s3, s7;
	s7 =	simm.s32 @!p0 $0x108  }
0x21: {  	s3 =	sadd.s32 s3, s9;
	s6 =	sadd.s32 @!p0 $0x88, s6;
	s7 =	simm.s32 @p2 $0x1082  }
0x22: {  	[simem:s7], [sflag:s8] =	dma.local @!p0 [hbm:s6], $0xF7A  }
0x23: {  	s9 =	sor.u32 $0xD0000000, s2;
	s6 =	simm.s32 $0x108;
	_ =	swait.ge @!p0 [sflag:s8], $0x0  }
0x24: {  	s3 =	sadd.s32 $0x88, s3;
	s6 =	simm.s32 @!p1 $0x1082;
	[sflag:s4] =	ssyncset.s32 $0xFFFFF086  }
0x25: {  	[simem:s6], [sflag:s4] =	dma.local [hbm:s3], $0xF7A  }
0x26: {  	[smem:$0x3F9B] =	sst s1;
	(tag) =	ssettag s2;
	_ =	strace s9  }
0x27: {  	s1 =	sld [smem:$0x3FAB]  }
0x28: {  	s2 =	sld [smem:$0x3FAC]  }
0x29: {  	s4 =	sld [smem:$0x3FAE]  }
0x2a: {  	p0 =	seq.s32 s5, $0x0;
	s5 =	sld [smem:$0x3FAF]  }
0x2b: {  	s6 =	sld [smem:$0x3FB0]  }
0x2c: {  	s7 =	sld [smem:$0x3FB1]  }
0x2d: {  	s3 =	simm.s32 $0x108;
	s8 =	sld [smem:$0x3FB2]  }
0x2e: {  	s3 =	simm.s32 @!p0 $0x1082;
	s9 =	sld [smem:$0x3FB3]  }
0x2f: {  	lr =	sadd.s32 s0, s3;
	s0 =	sld [smem:$0x3FAA]  }
0x30: {  	s3 =	sld [smem:$0x3FAD]  }
0x31: {  	[smem:$0x3FB6] =	sst s10  }
0x32: {  	s10 =	sld [smem:$0x3FB4];
	_ =	sdelay $0x3  }
0x33: {  	p0 =	seq.s32 s10, $0x1;
	s10 =	sld [smem:$0x3FB6];
	_ =	sdelay $0x3  }
0x34: {  	[smem:$0x3FB6] =	sst s10  }
0x35: {  	s10 =	sld [smem:$0x3FB5];
	_ =	sdelay $0x3  }
0x36: {  	p1 =	seq.s32 s10, $0x1;
	s10 =	sld [smem:$0x3FB6];
	_ =	sdelay $0x3  }
0x37: {  	[smem:$0x3FB6] =	sst s10  }
0x38: {  	s10 =	sld [smem:$0x3FB7]  }
0x39: {  	_ = 	snop;
	(pc) =	sbr.ind lr, $3  }
0x3a: {  	_ = 	snop  }
0x3b: {  	_ = 	snop  }
0x3c: {  	p2 =	seq.s32 s10, $0x1;
	s10 =	sld [smem:$0x3FB6]  }
0x3d: {  	_ =	shalt  }
0x3e: {  	_ =	shalt  }
0x3f: {  	_ =	shalt  }
0x40: {  	_ =	shalt  }
0x41: {  	_ =	shalt  }
0x42: {  	_ =	shalt  }
0x43: {  	_ =	shalt  }
0x44: {  	_ =	shalt  }
0x45: {  	_ =	shalt  }
0x46: {  	_ =	shalt  }
0x47: {  	_ =	shalt  }
0x48: {  	_ =	shalt  }
0x49: {  	_ =	shalt  }
0x4a: {  	_ =	shalt  }
0x4b: {  	_ =	shalt  }
0x4c: {  	_ =	shalt  }
0x4d: {  	_ =	shalt  }
0x4e: {  	_ =	shalt  }
0x4f: {  	_ =	shalt  }
0x50: {  	_ =	shalt  }
0x51: {  	_ =	shalt  }
0x52: {  	_ =	shalt  }
0x53: {  	_ =	shalt  }
0x54: {  	_ =	shalt  }
0x55: {  	_ =	shalt  }
0x56: {  	_ =	shalt  }
0x57: {  	_ =	shalt  }
0x58: {  	_ =	shalt  }
0x59: {  	_ =	shalt  }
0x5a: {  	_ =	shalt  }
0x5b: {  	_ =	shalt  }
0x5c: {  	_ =	shalt  }
0x5d: {  	_ =	shalt  }
0x5e: {  	_ =	shalt  }
0x5f: {  	_ =	shalt  }
0x60: {  	_ =	shalt  }
0x61: {  	_ =	shalt  }
0x62: {  	_ =	shalt  }
0x63: {  	_ =	shalt  }
0x64: {  	_ =	shalt  }
0x65: {  	_ =	shalt  }
0x66: {  	_ =	shalt  }
0x67: {  	_ =	shalt  }
0x68: {  	_ =	shalt  }
0x69: {  	_ =	shalt  }
0x6a: {  	_ =	shalt  }
0x6b: {  	_ =	shalt  }
0x6c: {  	_ =	shalt  }
0x6d: {  	_ =	shalt  }
0x6e: {  	_ =	shalt  }
0x6f: {  	_ =	shalt  }
0x70: {  	_ =	shalt  }
0x71: {  	_ =	shalt  }
0x72: {  	_ =	shalt  }
0x73: {  	_ =	shalt  }
0x74: {  	_ =	shalt  }
0x75: {  	_ =	shalt  }
0x76: {  	_ =	shalt  }
0x77: {  	_ =	shalt  }
0x78: {  	_ =	shalt  }
0x79: {  	_ =	shalt  }
0x7a: {  	_ =	shalt  }
0x7b: {  	_ =	shalt  }
0x7c: {  	_ =	shalt  }
0x7d: {  	_ =	shalt  }
0x7e: {  	_ =	shalt  }
0x7f: {  	_ =	shalt  }
0x80: {  	_ =	shalt  }
0x81: {  	_ =	shalt  }
0x82: {  	_ =	shalt  }
0x83: {  	_ =	shalt  }
0x84: {  	_ =	shalt  }
0x85: {  	_ =	shalt  }
0x86: {  	_ =	shalt  }
0x87: {  	_ =	shalt  }
.Lfunc_end0:
.L_simem_size_0:
called_computation.2_lowered:
.L_overlay_start_0:
0x88: {  	s2 =	sld [smem:$0x3FD9]  }
0x89: {  	s3 =	sld [smem:$0x3FFE];
	_ =	sdelay $0x1  }
0x8a: {  	s1 =	srdreg.scid  }
0x8b: {  	s0 =	sand.u32 $0x1, s1  }
0x8c: {  	s17 =	sshll.u32 s0, $0xA;
	s2 =	sadd.s32 s3, s2  }
0x8d: {  	s2 =	sadd.s32 s2, s17  }
0x8e: {  	[smem:$0x3FC2] =	sst s2  }
0x8f: {  	_ = 	snop  }
0x90: {  	s2 =	sld [smem:$0x3FD0];
	(tm) =	ssettm $0x1  }
0x91: {  	s18 =	sld [smem:$0x3FFB];
	_ =	sdelay $0x3  }
0x92: {  	_ =	strace s18  }
0x93: {  	s3 =	sld [smem:$0x3FFC];
	_ =	sdelay $0x3  }
0x94: {  	_ =	strace s3  }
0x95: {  	s3 =	sld [smem:$0x3FFD];
	_ =	sdelay $0x3  }
0x96: {  	_ =	strace s3  }
0x97: {  	_ =	strace $0x8FFFFFFF  }
0x98: {  	s19 =	sld [smem:$0x3FDB];
	_ =	sdelay $0x1  }
0x99: {  	s4 =	simm.s32 $_scs_section_size  }
0x9a: {  	s5 =	simm.s32 $_size__tile_overlayer_lowered;
	s6 =	simm.s32 $_tile_overlayer_lowered  }
0x9b: {  	s22 =	simm.s32 $0x1BFF;
	s21 =	sshll.u32 s6, $0x1;
	s3 =	sadd.s32 s4, s19  }
0x9c: {  	s7 =	simm.s32 $0x0;
	s20 =	sshll.u32 s5, $0x1;
	s5 =	sadd.s32 s21, s3  }
0x9d: {  	[timem:s7], [sflag:s22] =	dma.local [hbm:s5], s20  }
0x9e: {  	_ =	swait.ge [sflag:s22], s20  }
0x9f: {  	s4 =	ssub.s32 $0x0, s20;
	[sflag:s22] =	ssyncset.done $0x0  }
0xa0: {  	[sflag:s22] =	ssyncadd.s32 s4;
	_ =	sdelay $0x1  }
0xa1: {  	s23 =	simm.s32 $0x1B8B  }
0xa2: {  	_ =	swait.ge [sflag:s23], $0x1  }
0xa3: {  	[sflag:s23] =	ssyncset.done $0x0  }
0xa4: {  	s25 =	simm.s32 $0x1B8E;
	s24 =	sld [smem:$0x3FFE];
	[sflag:s23] =	ssyncadd.s32 $0xFFFFFFFF  }
0xa5: {  	s26 =	simm.s32 $execute0_lowered;
	[smem:$0x3FD2] =	sst s25  }
0xa6: {  	s5 =	sshll.u32 s26, $0x1;
	_ =	strace $0x8000004C;
	[dreg:$0x1] =	wrdreg $0xFFFFFFFF  }
0xa7: {  	s28 =	simm.s32 $_size_execute0_lowered;
	s3 =	sadd.s32 s3, s5;
	[dreg:$0x0] =	wrdreg $0x0  }
0xa8: {  	s5 =	sshll.u32 s28, $0x1;
	[dreg:$0x2] =	wrdreg s3  }
0xa9: {  	[dreg:$0x3] =	wrdreg s5  }
0xaa: {  	[dreg:$0x4] =	wrdreg $0xC0  }
0xab: {  	_ =	task [dreg:s7], $0x5FFFF  }
0xac: {  	[dreg:$0x1] =	wrdreg $0xFFFFFFFF  }
0xad: {  	[dreg:$0x0] =	wrdreg $0x60  }
0xae: {  	[dreg:$0x2] =	wrdreg s24  }
0xaf: {  	[dreg:$0x3] =	wrdreg s2  }
0xb0: {  	[dreg:$0x4] =	wrdreg $0x41000  }
0xb1: {  	[dreg:$0x5] =	wrdreg $0x9  }
0xb2: {  	_ =	task.clear_ibuf [dreg:s7], $0x6FFFF;
	_ =	strace $0x9000004C  }
0xb3: {  	s29 =	simm.s32 $0x9;
	_ =	strace $0x8000004E  }
0xb4: {  	_ =	swait.ge [sflag:s29], $0x1  }
0xb5: {  	[sflag:s29] =	ssyncadd.s32 $0xFFFFFFFF  }
0xb6: {  	_ =	strace $0x9000004E  }
0xb7: {  	_ =	sfence  }
0xb8: {  	s30 =	sld [smem:$0x0];
	_ =	sdelay $0x2  }
0xb9: {  	s31 =	sshll.u32 s1, $0xD;
	s1 =	sshrl.u32 s1, $0x2  }
0xba: {  	s3 =	sand.u32 $0x4000, s31;
	s1 =	sadd.s32 s1, s30  }
0xbb: {  	s0 =	sor.u32 s3, s0;
	s1 =	sshll.u32 s1, $0x11  }
0xbc: {  	s0 =	sor.u32 s1, s0  }
0xbd: {  	s0 =	sadd.s32 $0x8F2B, s0  }
0xbe: {  	[sflag:s0] =	ssyncadd.remote.s32 $0x1  }
0xbf: {  	_ =	sfence.sel $0xFFFF  }
0xc0: {  	[dreg:$0x0] =	wrdreg $0xFFFFFFFF;
	(pc) =	sbr.abs _section_cstart, $3  }
0xc1: {  	[dreg:$0x1] =	wrdreg $0xFFFFFFFF  }
0xc2: {  	_ =	task.clear_ibuf [dreg:s7], $0x2FFFF;
	_ =	strace $0x9FFFFFFF  }
0xc3: {  	(tm) =	ssettm $0x7FFFFFFF  }
tec
execute0_lowered:
.L_overlay_start_1:
0x0: {  	(tag) =	ssettag $0x1  }
0x1: {  	s9 =	rddreg [dreg:$0x0]  }
0x2: {  	s1 =	rddreg [dreg:$0x1]  }
0x3: {  	s2 =	rddreg [dreg:$0x2]  }
0x4: {  	s3 =	srdreg.scid;
	s0 =	rddreg [dreg:$0x3];
	s4 =	simm.s32 $0x0  }
0x5: {  	s21 =	simm.s32 $0x80;
	s22 =	simm.s32 $0x100;
	s16 =	sand.u32 $0x1, s3  }
0x6: {  	s23 =	simm.s32 $0x1;
	s3 =	stileid.u32;
	s5 =	smul.u32 $0x140000, s16  }
0x7: {  	s24 =	simm.s32 $0x0;
	[smem:$0x7FF] =	sst s4;
	s6 =	smul.u32 $0x14000, s3  }
0x8: {  	s15 =	sadd.s32 $0xC200, s9;
	s14 =	sadd.s32 $0x1E00, s9;
	s7 =	smul.u32 $0x2800, s3  }
0x9: {  	s17 =	sadd.s32 $0x12C000, s2;
	s18 =	sadd.s32 $0x138800, s2;
	s30 =	smul.u32 $0x50000, s3  }
0xa: {  	_ =	strace $0x8000004D;
	s10 =	ssub.s32 $0x2, s16;
	s13 =	smul.u32 $0x2E0, s3  }
0xb: {  	s20 =	smul.u32 $0x700, s3;
	p0 =	seq.s32 s3, $0xF;
	p1 =	sne.s32 s16, $0x0  }
0xc: {  	s31 =	sshrl.u32 s10, $0x1;
	s16 =	sshrl.u32 @p0 s17, $0x3;
	s17 =	sshrl.u32 @p0 s18, $0x3  }
0xd: {  	s5 =	sadd.s32 s6, s5;
	s8 =	sadd.s32 s7, s9;
	s6 =	sshrl.u32 s30, $0x2  }
0xe: {  	s12 =	ssub.s32 s10, s31;
	s7 =	sadd.s32 s1, s7;
	s19 =	sadd.s32 s13, s14  }
0xf: {  	s13 =	sadd.s32 s13, s15;
	s14 =	sadd.s32 s20, s14;
	s15 =	sadd.s32 s20, s15  }
.Ltmp0:
0x10: {  	s20 =	simm.s32 $0x2;
	s5 =	sshrl.u32 s5, $0x3;
	(pc) =	sbr.rel .LBB2_1-.Ltmp0, $4  }
0x11: {  	s13 =	sadd.s32 $0x7000, s13;
	s11 =	sadd.s32 s5, s9;
	s5 =	sadd.s32 s6, s2  }
0x12: {  	s6 =	sadd.s32 $0x16000, s8;
	s8 =	sadd.s32 $0x25800, s1;
	s10 =	sadd.s32 $0x3E000, s11  }
0x13: {  	s11 =	smax.u32 s12, $0x1;
	s12 =	sadd.s32 $0x7000, s19;
	s19 =	sshll.u32 @!p0 s3, $0x6  }
0x14: {  	s9 =	sadd.s32 $0x3D100, s9;
	s18 =	sor.u32 @!p0 $0x1C02, s19;
	s19 =	sshrl.u32 @!p0 s5, $0x3  }
.LBB2_7:
0x15: {  	s26 =	sadd.s32 s25, s13;
	[sflag:s20] =	ssyncadd.s32 $0xFFFFC000  }
0x16: {  	[tilespmem:s4], [sflag:$0x2] =	stream.linear.gather [hbm4b:s26+s4], $0x80, $0x38;
	[tilespmem:$0x18100] =	vst v63  }
0x17: {  	_ =	swait.ge [sflag:s20], $0x80  }
0x18: {  	[sflag:s20] =	ssyncset.done $0x0  }
0x19: {  	s31 =	sadd.s32 s25, s12;
	[sflag:s20] =	ssyncadd.s32 $0xFFFFFF80  }
0x1a: {  	[tilespmem:s21], [sflag:$0x2] =	stream.linear.gather [hbm4b:s31+s4], $0x80, $0x38;
	[tilespmem:$0x18100] =	vst v63  }
0x1b: {  	_ =	swait.ge [sflag:s20], $0x80  }
0x1c: {  	[sflag:s20] =	ssyncset.done $0x0  }
0x1d: {  	[sflag:s20] =	ssyncadd.s32 $0xFFFFFF80  }
0x1e: {  	[tilespmem:s22], [sflag:$0x1] =	stream.indirect.gather [hbm4b:s1+s21], $0x80, s4, s21, $0xb8;
	[tilespmem:$0x18100] =	vst v63  }
0x1f: {  	_ =	swait.ge [sflag:s23], $0x4000  }
0x20: {  	[sflag:s23] =	ssyncset.done $0x0  }
0x21: {  	[sflag:s23] =	ssyncadd.s32 $0xFFFFC000  }
0x22: {  	[spmem:s2] =	stream.indirect.scatter.add.f32 [tilespmem:s22], [sflag:$0x2], $0x80, s21, s21, $0xb8;
	[tilespmem:$0x18100] =	vst v63  }
0x23: {  	_ =	swait.ge [sflag:s20], $0x4000  }
0x24: {  	[sflag:s20] =	ssyncset.done $0x0  }
0x25: {  	[sflag:s20] =	ssyncadd.s32 $0xFFFFC000  }
.LBB2_8:
0x26: {  	s24 =	sadd.s32 $0x1, s24  }
0x27: {  	s25 =	sshll.u32 s3, $0x6;
	[bflag:$0x0] =	sbarrier.arrive $0xFFFF;
	p2 =	sne.s32 s24, s11  }
.Ltmp1:
0x28: {  	s26 =	sshrl.u32 s5, $0x3;
	s25 =	sor.u32 $0x1C02, s25;
	(pc) =	sbr.rel @!p2 .LBB2_9-.Ltmp1, $4  }
0x29: {  	[hbm:s10], [sflag:s25] =	dma.local [spmem:s26], $0x2800  }
0x2a: {  	_ =	swait.ge [sflag:s20], $0x2800  }
0x2b: {  	[sflag:s20] =	ssyncset.done $0x0  }
0x2c: {  	[sflag:s20] =	ssyncadd.s32 $0xFFFFD800  }
.LBB2_1:
.Ltmp2:
0x2d: {  	(pc) =	sbr.rel @p1 .LBB2_5-.Ltmp2, $1  }
0x2e: {  	_ =	sdelay $0x3  }
0x2f: {  	s25 =	simm.s32 @p0 $0x1FC2;
	s26 =	simm.s32 @p0 $0x2  }
0x30: {  	[spmem:s16], [sflag:s25] =	dma.local @p0 [hbm:s8], $0x1900  }
0x31: {  	_ =	swait.ge @p0 [sflag:s26], $0x1900  }
0x32: {  	[sflag:s26] =	ssyncset.done @p0 $0x0  }
0x33: {  	[sflag:s26] =	ssyncadd.s32 @p0 $0xFFFFE700  }
0x34: {  	[spmem:s17], [sflag:s25] =	dma.local @p0 [hbm:s9], $0xF00  }
0x35: {  	_ =	swait.ge @p0 [sflag:s26], $0xF00  }
0x36: {  	[sflag:s26] =	ssyncset.done @p0 $0x0  }
0x37: {  	s25 =	simm.s32 @!p0 $0x2;
	[sflag:s26] =	ssyncadd.s32 @p0 $0xFFFFF100  }
0x38: {  	[spmem:s19], [sflag:s18] =	dma.local @!p0 [hbm:s7], $0x2800  }
0x39: {  	_ =	swait.ge @!p0 [sflag:s25], $0x2800  }
0x3a: {  	[sflag:s25] =	ssyncset.done @!p0 $0x0  }
0x3b: {  	[sflag:s25] =	ssyncadd.s32 @!p0 $0xFFFFD800  }
0x3c: {  	s30 =	sadd.s32 $0x0, s15;
	[bflag:$0x0] =	sbarrier.arrive $0xFFFF  }
0x3d: {  	[tilespmem:s4], [sflag:$0x2] =	stream.linear.gather [hbm4b:s30+s4], $0x80, $0x38;
	[tilespmem:$0x18100] =	vst v63  }
0x3e: {  	_ =	swait.ge [sflag:s20], $0x80  }
0x3f: {  	[sflag:s20] =	ssyncset.done $0x0  }
0x40: {  	s31 =	sadd.s32 $0x0, s14;
	[sflag:s20] =	ssyncadd.s32 $0xFFFFFF80  }
0x41: {  	[tilespmem:s21], [sflag:$0x2] =	stream.linear.gather [hbm4b:s31+s4], $0x80, $0x38;
	[tilespmem:$0x18100] =	vst v63  }
0x42: {  	_ =	swait.ge [sflag:s20], $0x80  }
0x43: {  	[sflag:s20] =	ssyncset.done $0x0  }
0x44: {  	[sflag:s20] =	ssyncadd.s32 $0xFFFFFF80  }
0x45: {  	[tilespmem:s22], [sflag:$0x1] =	stream.indirect.gather [hbm4b:s1+s21], $0x80, s4, s21, $0xb8;
	[tilespmem:$0x18100] =	vst v63  }
0x46: {  	_ =	swait.ge [sflag:s23], $0x4000  }
0x47: {  	[sflag:s23] =	ssyncset.done $0x0  }
0x48: {  	[sflag:s23] =	ssyncadd.s32 $0xFFFFC000  }
0x49: {  	[spmem:s2] =	stream.indirect.scatter.add.f32 [tilespmem:s22], [sflag:$0x2], $0x80, s21, s21, $0xb8;
	[tilespmem:$0x18100] =	vst v63  }
0x4a: {  	_ =	swait.ge [sflag:s20], $0x4000  }
0x4b: {  	s26 =	simm.s32 $0x20;
	s25 =	simm.s32 $0x10;
	[sflag:s20] =	ssyncset.done $0x0  }
.LBB2_3:
0x4c: {  	s28 =	sadd.s32 s25, s15  }
0x4d: {  	[sflag:s20] =	ssyncadd.s32 $0xFFFFC000;
	s29 =	smov.u32 s26;
	s30 =	sadd.s32 $0x10, s26  }
0x4e: {  	[tilespmem:s4], [sflag:$0x2] =	stream.linear.gather [hbm4b:s28+s4], $0x80, $0x38;
	[tilespmem:$0x18100] =	vst v63  }
0x4f: {  	p2 =	seq.s32 s26, $0x6F0;
	_ =	swait.ge [sflag:s20], $0x80  }
0x50: {  	[sflag:s20] =	ssyncset.done $0x0  }
0x51: {  	s26 =	sadd.s32 s25, s14;
	s25 =	smov.u32 s29;
	[sflag:s20] =	ssyncadd.s32 $0xFFFFFF80  }
0x52: {  	[tilespmem:s21], [sflag:$0x2] =	stream.linear.gather [hbm4b:s26+s4], $0x80, $0x38;
	[tilespmem:$0x18100] =	vst v63  }
0x53: {  	_ =	swait.ge [sflag:s20], $0x80  }
0x54: {  	[sflag:s20] =	ssyncset.done $0x0  }
0x55: {  	[sflag:s20] =	ssyncadd.s32 $0xFFFFFF80  }
0x56: {  	[tilespmem:s22], [sflag:$0x1] =	stream.indirect.gather [hbm4b:s1+s21], $0x80, s4, s21, $0xb8;
	[tilespmem:$0x18100] =	vst v63  }
0x57: {  	_ =	swait.ge [sflag:s23], $0x4000  }
.Ltmp3:
0x58: {  	[sflag:s23] =	ssyncset.done $0x0;
	(pc) =	sbr.rel @!p2 .LBB2_3-.Ltmp3, $4  }
0x59: {  	[sflag:s23] =	ssyncadd.s32 $0xFFFFC000  }
0x5a: {  	[spmem:s2] =	stream.indirect.scatter.add.f32 [tilespmem:s22], [sflag:$0x2], $0x80, s21, s21, $0xb8;
	[tilespmem:$0x18100] =	vst v63  }
0x5b: {  	_ =	swait.ge [sflag:s20], $0x4000  }
0x5c: {  	s26 =	smov.u32 s30;
	[sflag:s20] =	ssyncset.done $0x0  }
0x5d: {  	s26 =	sadd.s32 s25, s15;
	[sflag:s20] =	ssyncadd.s32 $0xFFFFC000  }
0x5e: {  	[tilespmem:s4], [sflag:$0x2] =	stream.linear.gather [hbm4b:s26+s4], $0x80, $0x38;
	[tilespmem:$0x18100] =	vst v63  }
0x5f: {  	_ =	swait.ge [sflag:s20], $0x80  }
0x60: {  	[sflag:s20] =	ssyncset.done $0x0  }
0x61: {  	s31 =	sadd.s32 s25, s14;
	[sflag:s20] =	ssyncadd.s32 $0xFFFFFF80  }
0x62: {  	[tilespmem:s21], [sflag:$0x2] =	stream.linear.gather [hbm4b:s31+s4], $0x80, $0x38;
	[tilespmem:$0x18100] =	vst v63  }
0x63: {  	_ =	swait.ge [sflag:s20], $0x80  }
0x64: {  	[sflag:s20] =	ssyncset.done $0x0  }
0x65: {  	[sflag:s20] =	ssyncadd.s32 $0xFFFFFF80  }
0x66: {  	[tilespmem:s22], [sflag:$0x1] =	stream.indirect.gather [hbm4b:s1+s21], $0x80, s4, s21, $0xb8;
	[tilespmem:$0x18100] =	vst v63  }
0x67: {  	_ =	swait.ge [sflag:s23], $0x4000  }
0x68: {  	[sflag:s23] =	ssyncset.done $0x0  }
.Ltmp4:
0x69: {  	[sflag:s23] =	ssyncadd.s32 $0xFFFFC000;
	(pc) =	sbr.rel .LBB2_8-.Ltmp4, $4  }
0x6a: {  	[spmem:s2] =	stream.indirect.scatter.add.f32 [tilespmem:s22], [sflag:$0x2], $0x80, s21, s21, $0xb8;
	[tilespmem:$0x18100] =	vst v63  }
0x6b: {  	_ =	swait.ge [sflag:s20], $0x4000  }
0x6c: {  	[sflag:s20] =	ssyncset.done $0x0  }
0x6d: {  	[sflag:s20] =	ssyncadd.s32 $0xFFFFC000  }
.LBB2_5:
0x6e: {  	s25 =	sshll.u32 s3, $0x6  }
0x6f: {  	s26 =	sshrl.u32 s5, $0x3;
	s25 =	sor.u32 $0x1C02, s25  }
0x70: {  	[spmem:s26], [sflag:s25] =	dma.local [hbm:s6], $0x2800  }
0x71: {  	_ =	swait.ge [sflag:s20], $0x2800  }
0x72: {  	[sflag:s20] =	ssyncset.done $0x0  }
0x73: {  	[sflag:s20] =	ssyncadd.s32 $0xFFFFD800  }
0x74: {  	s30 =	sadd.s32 $0x0, s13;
	[bflag:$0x0] =	sbarrier.arrive $0xFFFF  }
0x75: {  	[tilespmem:s4], [sflag:$0x2] =	stream.linear.gather [hbm4b:s30+s4], $0x80, $0x38;
	[tilespmem:$0x18100] =	vst v63  }
0x76: {  	_ =	swait.ge [sflag:s20], $0x80  }
0x77: {  	[sflag:s20] =	ssyncset.done $0x0  }
0x78: {  	s31 =	sadd.s32 $0x0, s12;
	[sflag:s20] =	ssyncadd.s32 $0xFFFFFF80  }
0x79: {  	[tilespmem:s21], [sflag:$0x2] =	stream.linear.gather [hbm4b:s31+s4], $0x80, $0x38;
	[tilespmem:$0x18100] =	vst v63  }
0x7a: {  	_ =	swait.ge [sflag:s20], $0x80  }
0x7b: {  	[sflag:s20] =	ssyncset.done $0x0  }
0x7c: {  	[sflag:s20] =	ssyncadd.s32 $0xFFFFFF80  }
0x7d: {  	[tilespmem:s22], [sflag:$0x1] =	stream.indirect.gather [hbm4b:s1+s21], $0x80, s4, s21, $0xb8;
	[tilespmem:$0x18100] =	vst v63  }
0x7e: {  	_ =	swait.ge [sflag:s23], $0x4000  }
0x7f: {  	[sflag:s23] =	ssyncset.done $0x0  }
0x80: {  	[sflag:s23] =	ssyncadd.s32 $0xFFFFC000  }
0x81: {  	[spmem:s2] =	stream.indirect.scatter.add.f32 [tilespmem:s22], [sflag:$0x2], $0x80, s21, s21, $0xb8;
	[tilespmem:$0x18100] =	vst v63  }
0x82: {  	_ =	swait.ge [sflag:s20], $0x4000  }
0x83: {  	s25 =	simm.s32 $0x10;
	s26 =	simm.s32 $0x20;
	[sflag:s20] =	ssyncset.done $0x0  }
.LBB2_6:
0x84: {  	s28 =	sadd.s32 s25, s13  }
0x85: {  	[sflag:s20] =	ssyncadd.s32 $0xFFFFC000;
	s29 =	smov.u32 s26;
	s30 =	sadd.s32 $0x10, s26  }
0x86: {  	[tilespmem:s4], [sflag:$0x2] =	stream.linear.gather [hbm4b:s28+s4], $0x80, $0x38;
	[tilespmem:$0x18100] =	vst v63  }
0x87: {  	p2 =	sne.s32 s26, $0x2D0;
	_ =	swait.ge [sflag:s20], $0x80  }
0x88: {  	[sflag:s20] =	ssyncset.done $0x0  }
0x89: {  	s26 =	sadd.s32 s25, s12;
	s25 =	smov.u32 s29;
	[sflag:s20] =	ssyncadd.s32 $0xFFFFFF80  }
0x8a: {  	[tilespmem:s21], [sflag:$0x2] =	stream.linear.gather [hbm4b:s26+s4], $0x80, $0x38;
	[tilespmem:$0x18100] =	vst v63  }
0x8b: {  	_ =	swait.ge [sflag:s20], $0x80  }
0x8c: {  	[sflag:s20] =	ssyncset.done $0x0  }
0x8d: {  	[sflag:s20] =	ssyncadd.s32 $0xFFFFFF80  }
0x8e: {  	[tilespmem:s22], [sflag:$0x1] =	stream.indirect.gather [hbm4b:s1+s21], $0x80, s4, s21, $0xb8;
	[tilespmem:$0x18100] =	vst v63  }
0x8f: {  	_ =	swait.ge [sflag:s23], $0x4000  }
.Ltmp5:
0x90: {  	[sflag:s23] =	ssyncset.done $0x0;
	(pc) =	sbr.rel @p2 .LBB2_6-.Ltmp5, $4  }
0x91: {  	[sflag:s23] =	ssyncadd.s32 $0xFFFFC000  }
0x92: {  	[spmem:s2] =	stream.indirect.scatter.add.f32 [tilespmem:s22], [sflag:$0x2], $0x80, s21, s21, $0xb8;
	[tilespmem:$0x18100] =	vst v63  }
0x93: {  	_ =	swait.ge [sflag:s20], $0x4000  }
0x94: {  	s26 =	smov.u32 s30;
	[sflag:s20] =	ssyncset.done $0x0  }
.Ltmp6:
0x95: {  	_ = 	snop;
	(pc) =	sbr.rel .LBB2_7-.Ltmp6, $1  }
0x96: {  	_ =	sdelay $0x3  }
.LBB2_9:
0x97: {  	_ =	sfence.sel $0x180000  }
0x98: {  	[bflag:$0x0] =	sbarrier.arrive $0xFFFF  }
0x99: {  	p0 =	sne.s32 s3, $0x0;
	_ =	strace $0x9000004D  }
0x9a: {  	s0 =	sadd.s32 @!p0 $0x100000, s0;
	[bflag:$0x2] =	sbarrier.arrive $0xFFFF  }
0x9b: {  	[sflag:s0] =	ssyncadd.tile.s32 @!p0 $0x1;
	_ =	shalt  }
.Lfunc_end2:
_tile_overlayer_lowered:
.L_overlay_start_2:
0x9c: {  	(tag) =	ssettag $0x2  }
0x9d: {  	s0 =	rddreg [dreg:$0x0];
	s2 =	stileid.u32  }
0x9e: {  	s1 =	rddreg [dreg:$0x1];
	p0 =	sne.s32 s2, $0x0  }
0x9f: {  	s3 =	rddreg [dreg:$0x2];
	[bflag:$0x3] =	sbarrier.arrive $0xFFFF;
	s2 =	simm.s32 @!p0 $0x1C02  }
0xa0: {  	[timem:s3], [sflag:s2] =	dma.local @!p0 [hbm:s0], s1  }
0xa1: {  	s0 =	simm.s32 @!p0 $0x2  }
0xa2: {  	_ =	swait.ge @!p0 [sflag:s0], s1  }
0xa3: {  	s1 =	ssub.s32 @!p0 $0x0, s1;
	[sflag:s0] =	ssyncset.done @!p0 $0x0  }
0xa4: {  	[sflag:s0] =	ssyncadd.s32 @!p0 s1  }
0xa5: {  	[bflag:$0x3] =	sbarrier.arrive $0xFFFF  }
0xa6: {  	_ =	shalt  }

// kernel: kernel.9.cloned.1.call-start
scs
__scs_entry_jumppad:
0x0: {  	(pc) =	sbr.rel $0x88, $3  }
0x1: {  	(tag) =	ssettag $0x0;
	lr =	simm.s32 $0x1  }
0x2: {  	[smem:$0x3F9B] =	sst lr;
	_ =	strace $0xD0000000  }
0x3: {  	_ = 	snop  }
0x4: {  	_ = 	snop  }
0x5: {  	_ = 	snop  }
0x6: {  	_ = 	snop  }
0x7: {  	_ = 	snop  }
__scs_overlays_trampoline_lowered:
0x8: {  	[smem:$0x3FAA] =	sst s0  }
0x9: {  	[smem:$0x3FAB] =	sst s1  }
0xa: {  	[smem:$0x3FAC] =	sst s2  }
0xb: {  	[smem:$0x3FAD] =	sst s3  }
0xc: {  	[smem:$0x3FAE] =	sst s4  }
0xd: {  	[smem:$0x3FAF] =	sst s5  }
0xe: {  	[smem:$0x3FB0] =	sst s6  }
0xf: {  	[smem:$0x3FB1] =	sst s7  }
0x10: {  	[smem:$0x3FB2] =	sst s8  }
0x11: {  	[smem:$0x3FB3] =	sst s9;
	s0 =	simm.s32 @!p0 $0x0  }
0x12: {  	s1 =	sld [smem:$0x3F99];
	s0 =	simm.s32 @p0 $0x1  }
0x13: {  	[smem:$0x3FB4] =	sst s0;
	s0 =	simm.s32 @!p1 $0x0  }
0x14: {  	s2 =	sld [smem:$0x3F98];
	s0 =	simm.s32 @p1 $0x1  }
0x15: {  	[smem:$0x3FB5] =	sst s0;
	s0 =	simm.s32 @!p2 $0x0  }
0x16: {  	s3 =	sld [smem:$0x3FDB];
	s0 =	simm.s32 @p2 $0x1  }
0x17: {  	s4 =	simm.s32 $0x1BF5;
	[smem:$0x3FB7] =	sst s0  }
0x18: {  	s0 =	sld [smem:$0x3F9A];
	_ =	swait.ge [sflag:s4], $0x0  }
0x19: {  	s7 =	sld [smem:$0x3F9B]  }
0x1a: {  	s8 =	sadd.s32 $0xFFFFE003, lr  }
0x1b: {  	s9 =	sadd.s32 $0xFFFFFEF7, lr;
	s5 =	simm.s32 $0xFFFFFFFF;
	p2 =	slt.u32 s8, $0xFFFFF086  }
0x1c: {  	p1 =	slt.u32 s9, $0xF7A;
	s5 =	simm.s32 @!p2 $0x0  }
0x1d: {  	s5 =	simm.s32 @p1 $0x1;
	p0 =	seq.s32 s7, s2  }
0x1e: {  	s7 =	smul.u32 @!p0 $0xF7A, s2;
	p2 =	seq.s32 @!p0 s5, $0x0  }
0x1f: {  	s9 =	smul.u32 $0xF7A, s1;
	s8 =	simm.s32 @!p0 $0x1BF5;
	p2 =	por !p2, p0  }
0x20: {  	[sflag:s8] =	ssyncset.s32 @!p0 $0xFFFFF086;
	s6 =	sadd.s32 @!p0 s3, s7;
	s7 =	simm.s32 @!p0 $0x108  }
0x21: {  	s3 =	sadd.s32 s3, s9;
	s6 =	sadd.s32 @!p0 $0x88, s6;
	s7 =	simm.s32 @p2 $0x1082  }
0x22: {  	[simem:s7], [sflag:s8] =	dma.local @!p0 [hbm:s6], $0xF7A  }
0x23: {  	s9 =	sor.u32 $0xD0000000, s2;
	s6 =	simm.s32 $0x108;
	_ =	swait.ge @!p0 [sflag:s8], $0x0  }
0x24: {  	s3 =	sadd.s32 $0x88, s3;
	s6 =	simm.s32 @!p1 $0x1082;
	[sflag:s4] =	ssyncset.s32 $0xFFFFF086  }
0x25: {  	[simem:s6], [sflag:s4] =	dma.local [hbm:s3], $0xF7A  }
0x26: {  	[smem:$0x3F9B] =	sst s1;
	(tag) =	ssettag s2;
	_ =	strace s9  }
0x27: {  	s1 =	sld [smem:$0x3FAB]  }
0x28: {  	s2 =	sld [smem:$0x3FAC]  }
0x29: {  	s4 =	sld [smem:$0x3FAE]  }
0x2a: {  	p0 =	seq.s32 s5, $0x0;
	s5 =	sld [smem:$0x3FAF]  }
0x2b: {  	s6 =	sld [smem:$0x3FB0]  }
0x2c: {  	s7 =	sld [smem:$0x3FB1]  }
0x2d: {  	s3 =	simm.s32 $0x108;
	s8 =	sld [smem:$0x3FB2]  }
0x2e: {  	s3 =	simm.s32 @!p0 $0x1082;
	s9 =	sld [smem:$0x3FB3]  }
0x2f: {  	lr =	sadd.s32 s0, s3;
	s0 =	sld [smem:$0x3FAA]  }
0x30: {  	s3 =	sld [smem:$0x3FAD]  }
0x31: {  	[smem:$0x3FB6] =	sst s10  }
0x32: {  	s10 =	sld [smem:$0x3FB4];
	_ =	sdelay $0x3  }
0x33: {  	p0 =	seq.s32 s10, $0x1;
	s10 =	sld [smem:$0x3FB6];
	_ =	sdelay $0x3  }
0x34: {  	[smem:$0x3FB6] =	sst s10  }
0x35: {  	s10 =	sld [smem:$0x3FB5];
	_ =	sdelay $0x3  }
0x36: {  	p1 =	seq.s32 s10, $0x1;
	s10 =	sld [smem:$0x3FB6];
	_ =	sdelay $0x3  }
0x37: {  	[smem:$0x3FB6] =	sst s10  }
0x38: {  	s10 =	sld [smem:$0x3FB7]  }
0x39: {  	_ = 	snop;
	(pc) =	sbr.ind lr, $3  }
0x3a: {  	_ = 	snop  }
0x3b: {  	_ = 	snop  }
0x3c: {  	p2 =	seq.s32 s10, $0x1;
	s10 =	sld [smem:$0x3FB6]  }
0x3d: {  	_ =	shalt  }
0x3e: {  	_ =	shalt  }
0x3f: {  	_ =	shalt  }
0x40: {  	_ =	shalt  }
0x41: {  	_ =	shalt  }
0x42: {  	_ =	shalt  }
0x43: {  	_ =	shalt  }
0x44: {  	_ =	shalt  }
0x45: {  	_ =	shalt  }
0x46: {  	_ =	shalt  }
0x47: {  	_ =	shalt  }
0x48: {  	_ =	shalt  }
0x49: {  	_ =	shalt  }
0x4a: {  	_ =	shalt  }
0x4b: {  	_ =	shalt  }
0x4c: {  	_ =	shalt  }
0x4d: {  	_ =	shalt  }
0x4e: {  	_ =	shalt  }
0x4f: {  	_ =	shalt  }
0x50: {  	_ =	shalt  }
0x51: {  	_ =	shalt  }
0x52: {  	_ =	shalt  }
0x53: {  	_ =	shalt  }
0x54: {  	_ =	shalt  }
0x55: {  	_ =	shalt  }
0x56: {  	_ =	shalt  }
0x57: {  	_ =	shalt  }
0x58: {  	_ =	shalt  }
0x59: {  	_ =	shalt  }
0x5a: {  	_ =	shalt  }
0x5b: {  	_ =	shalt  }
0x5c: {  	_ =	shalt  }
0x5d: {  	_ =	shalt  }
0x5e: {  	_ =	shalt  }
0x5f: {  	_ =	shalt  }
0x60: {  	_ =	shalt  }
0x61: {  	_ =	shalt  }
0x62: {  	_ =	shalt  }
0x63: {  	_ =	shalt  }
0x64: {  	_ =	shalt  }
0x65: {  	_ =	shalt  }
0x66: {  	_ =	shalt  }
0x67: {  	_ =	shalt  }
0x68: {  	_ =	shalt  }
0x69: {  	_ =	shalt  }
0x6a: {  	_ =	shalt  }
0x6b: {  	_ =	shalt  }
0x6c: {  	_ =	shalt  }
0x6d: {  	_ =	shalt  }
0x6e: {  	_ =	shalt  }
0x6f: {  	_ =	shalt  }
0x70: {  	_ =	shalt  }
0x71: {  	_ =	shalt  }
0x72: {  	_ =	shalt  }
0x73: {  	_ =	shalt  }
0x74: {  	_ =	shalt  }
0x75: {  	_ =	shalt  }
0x76: {  	_ =	shalt  }
0x77: {  	_ =	shalt  }
0x78: {  	_ =	shalt  }
0x79: {  	_ =	shalt  }
0x7a: {  	_ =	shalt  }
0x7b: {  	_ =	shalt  }
0x7c: {  	_ =	shalt  }
0x7d: {  	_ =	shalt  }
0x7e: {  	_ =	shalt  }
0x7f: {  	_ =	shalt  }
0x80: {  	_ =	shalt  }
0x81: {  	_ =	shalt  }
0x82: {  	_ =	shalt  }
0x83: {  	_ =	shalt  }
0x84: {  	_ =	shalt  }
0x85: {  	_ =	shalt  }
0x86: {  	_ =	shalt  }
0x87: {  	_ =	shalt  }
.Lfunc_end0:
.L_simem_size_0:
called_computation_lowered:
.L_overlay_start_0:
0x88: {  	s2 =	sld [smem:$0x3FD9]  }
0x89: {  	s3 =	sld [smem:$0x3FFE];
	_ =	sdelay $0x1  }
0x8a: {  	s1 =	srdreg.scid  }
0x8b: {  	s0 =	sand.u32 $0x1, s1  }
0x8c: {  	s17 =	sshll.u32 s0, $0xA;
	s2 =	sadd.s32 s3, s2  }
0x8d: {  	s2 =	sadd.s32 s2, s17  }
0x8e: {  	[smem:$0x3FC2] =	sst s2  }
0x8f: {  	_ = 	snop  }
0x90: {  	s2 =	sld [smem:$0x3FD0];
	(tm) =	ssettm $0x1  }
0x91: {  	s18 =	sld [smem:$0x3FFB];
	_ =	sdelay $0x3  }
0x92: {  	_ =	strace s18  }
0x93: {  	s3 =	sld [smem:$0x3FFC];
	_ =	sdelay $0x3  }
0x94: {  	_ =	strace s3  }
0x95: {  	s3 =	sld [smem:$0x3FFD];
	_ =	sdelay $0x3  }
0x96: {  	_ =	strace s3  }
0x97: {  	_ =	strace $0x8FFFFFFF  }
0x98: {  	s19 =	sld [smem:$0x3FDB];
	_ =	sdelay $0x1  }
0x99: {  	s4 =	simm.s32 $_scs_section_size  }
0x9a: {  	s5 =	simm.s32 $_size__tile_overlayer_lowered;
	s6 =	simm.s32 $_tile_overlayer_lowered  }
0x9b: {  	s22 =	simm.s32 $0x1BFF;
	s21 =	sshll.u32 s6, $0x1;
	s3 =	sadd.s32 s4, s19  }
0x9c: {  	s7 =	simm.s32 $0x0;
	s20 =	sshll.u32 s5, $0x1;
	s5 =	sadd.s32 s21, s3  }
0x9d: {  	[timem:s7], [sflag:s22] =	dma.local [hbm:s5], s20  }
0x9e: {  	_ =	swait.ge [sflag:s22], s20  }
0x9f: {  	s4 =	ssub.s32 $0x0, s20;
	[sflag:s22] =	ssyncset.done $0x0  }
0xa0: {  	[sflag:s22] =	ssyncadd.s32 s4;
	_ =	sdelay $0x1  }
0xa1: {  	s23 =	simm.s32 $0x1B8B  }
0xa2: {  	_ =	swait.ge [sflag:s23], $0x1  }
0xa3: {  	[sflag:s23] =	ssyncset.done $0x0  }
0xa4: {  	s25 =	simm.s32 $0x1B8E;
	s24 =	sld [smem:$0x3FFE];
	[sflag:s23] =	ssyncadd.s32 $0xFFFFFFFF  }
0xa5: {  	s26 =	simm.s32 $execute0_lowered;
	[smem:$0x3FD2] =	sst s25  }
0xa6: {  	s5 =	sshll.u32 s26, $0x1;
	_ =	strace $0x80000046;
	[dreg:$0x1] =	wrdreg $0xFFFFFFFF  }
0xa7: {  	s28 =	simm.s32 $_size_execute0_lowered;
	s3 =	sadd.s32 s3, s5;
	[dreg:$0x0] =	wrdreg $0x0  }
0xa8: {  	s5 =	sshll.u32 s28, $0x1;
	[dreg:$0x2] =	wrdreg s3  }
0xa9: {  	[dreg:$0x3] =	wrdreg s5  }
0xaa: {  	[dreg:$0x4] =	wrdreg $0xC0  }
0xab: {  	_ =	task [dreg:s7], $0x5FFFF  }
0xac: {  	[dreg:$0x1] =	wrdreg $0xFFFFFFFF  }
0xad: {  	[dreg:$0x0] =	wrdreg $0x60  }
0xae: {  	[dreg:$0x2] =	wrdreg s24  }
0xaf: {  	[dreg:$0x3] =	wrdreg s2  }
0xb0: {  	[dreg:$0x4] =	wrdreg $0x7A000  }
0xb1: {  	[dreg:$0x5] =	wrdreg $0x9  }
0xb2: {  	_ =	task.clear_ibuf [dreg:s7], $0x6FFFF;
	_ =	strace $0x90000046  }
0xb3: {  	s29 =	simm.s32 $0x9;
	_ =	strace $0x80000048  }
0xb4: {  	_ =	swait.ge [sflag:s29], $0x1  }
0xb5: {  	[sflag:s29] =	ssyncadd.s32 $0xFFFFFFFF  }
0xb6: {  	_ =	strace $0x90000048  }
0xb7: {  	_ =	sfence  }
0xb8: {  	s30 =	sld [smem:$0x0];
	_ =	sdelay $0x2  }
0xb9: {  	s31 =	sshll.u32 s1, $0xD;
	s1 =	sshrl.u32 s1, $0x2  }
0xba: {  	s3 =	sand.u32 $0x4000, s31;
	s1 =	sadd.s32 s1, s30  }
0xbb: {  	s0 =	sor.u32 s3, s0;
	s1 =	sshll.u32 s1, $0x11  }
0xbc: {  	s0 =	sor.u32 s1, s0  }
0xbd: {  	s0 =	sadd.s32 $0x8F2B, s0  }
0xbe: {  	[sflag:s0] =	ssyncadd.remote.s32 $0x1  }
0xbf: {  	_ =	sfence.sel $0xFFFF  }
0xc0: {  	[dreg:$0x0] =	wrdreg $0xFFFFFFFF;
	(pc) =	sbr.abs _section_cstart, $3  }
0xc1: {  	[dreg:$0x1] =	wrdreg $0xFFFFFFFF  }
0xc2: {  	_ =	task.clear_ibuf [dreg:s7], $0x2FFFF;
	_ =	strace $0x9FFFFFFF  }
0xc3: {  	(tm) =	ssettm $0x7FFFFFFF  }
tec
execute0_lowered:
.L_overlay_start_1:
0x0: {  	(tag) =	ssettag $0x1  }
0x1: {  	s3 =	rddreg [dreg:$0x0]  }
0x2: {  	s0 =	srdreg.scid;
	s7 =	rddreg [dreg:$0x1]  }
0x3: {  	s6 =	rddreg [dreg:$0x2];
	s1 =	stileid.u32;
	s2 =	simm.s32 $0x0  }
0x4: {  	s13 =	simm.s32 $0x1400;
	s14 =	simm.s32 $0x14000;
	s15 =	simm.s32 $0x4F80  }
0x5: {  	s16 =	simm.s32 $0x100;
	s5 =	sand.u32 $0x1, s0;
	s0 =	rddreg [dreg:$0x3]  }
0x6: {  	s17 =	simm.s32 $0x7780;
	s18 =	simm.s32 $0x0;
	[smem:$0x7FF] =	sst s2  }
0x7: {  	s9 =	sshrl.u32 s1, $0x3;
	s30 =	smul.u32 $0x5000, s1;
	s11 =	sshll.u32 s1, $0x7  }
0x8: {  	s12 =	smul.u32 $0x500, s1;
	s4 =	sshll.u32 s5, $0x4;
	_ =	strace $0x80000047  }
0x9: {  	s8 =	ssub.s32 $0x2, s5;
	s9 =	smul.u32 $0x50000, s9;
	s11 =	sand.u32 $0x380, s11  }
0xa: {  	s5 =	sshll.u32 s5, $0x7;
	s4 =	sor.u32 s1, s4;
	s10 =	sshrl.u32 s8, $0x1  }
0xb: {  	s12 =	sor.u32 s5, s12;
	s4 =	smul.u32 $0x4F0, s4;
	s8 =	ssub.s32 s8, s10  }
0xc: {  	s9 =	sshrl.u32 s9, $0x2;
	s10 =	sshrl.u32 s30, $0x2;
	s31 =	sshrl.u32 s12, $0x3  }
0xd: {  	s12 =	simm.s32 $0x400;
	s9 =	sadd.s32 s9, s6;
	s6 =	sadd.s32 s10, s6  }
0xe: {  	s7 =	sadd.s32 s7, s31;
	s8 =	smax.u32 s8, $0x1;
	s10 =	simm.s32 $0x1  }
0xf: {  	s4 =	sadd.s32 s4, s3;
	s3 =	sadd.s32 $0xBC00, s3;
	s5 =	sadd.s32 s11, s9  }
0x10: {  	v0 =	vimm.f32 $1.000000000e+00;
	s9 =	simm.s32 $0x2780;
	s11 =	simm.s32 $0x80;
	s4 =	sadd.s32 $0x1E00, s4  }
.LBB2_1:
0x11: {  	[tilespmem:s9], [sflag:$0x1] =	stream.linear.gather [hbm4b:s3+s2], $0x2800, $0x38;
	[tilespmem:$0xA200] =	vst v63  }
0x12: {  	_ =	swait.ge [sflag:s10], $0x2800  }
0x13: {  	[sflag:s10] =	ssyncset.done $0x0  }
0x14: {  	[sflag:s10] =	ssyncadd.s32 $0xFFFFD800  }
0x15: {  	[tilespmem:s2], [sflag:$0x1] =	stream.linear.gather [hbm4b:s4+s2], $0x2780, $0x38;
	[tilespmem:$0xA200] =	vst v63  }
0x16: {  	_ =	swait.ge [sflag:s10], $0x2780  }
0x17: {  	[sflag:s10] =	ssyncset.done $0x0  }
0x18: {  	s20 =	simm.s32 $0x0;
	s19 =	simm.s32 $0x40;
	[sflag:s10] =	ssyncadd.s32 $0xFFFFD880  }
.LBB2_2:
0x19: {  	p0 =	sne.s32 s19, $0x9DC0;
	v1 =	vld [tilespmem:s20+$0x0];
	_ =	sdelay $0x3  }
.Ltmp0:
0x1a: {  	(pc) =	sbr.rel @p0 .LBB2_2-.Ltmp0, $2  }
0x1b: {  	_ =	sdelay $0x2  }
0x1c: {  	s20 =	sshra.s32 s19, $0x2;
	s19 =	sadd.s32 $0x40, s19;
	[tilespmem:v1+s9+$0x0] =	vst.idx.add.f32.msk $0xffff, v0  }
0x1d: {  	v1 =	vld [tilespmem:s20+$0x0];
	_ =	sdelay $0x7  }
0x1e: {  	[tilespmem:v1+s9+$0x0] =	vst.idx.add.f32.msk $0xffff, v0  }
0x1f: {  	[spmem:s5] =	stream.strided.scatter [tilespmem:s9], [sflag:$0x1], $0x2800, s12, s11, $0x38;
	[tilespmem:$0xA200] =	vst v63  }
0x20: {  	_ =	swait.ge [sflag:s10], $0x2800  }
0x21: {  	[sflag:s10] =	ssyncset.done $0x0  }
0x22: {  	[sflag:s10] =	ssyncadd.s32 $0xFFFFD800  }
0x23: {  	[bflag:$0x0] =	sbarrier.arrive $0xFFFF  }
0x24: {  	[tilespmem:s15], [sflag:$0x1] =	stream.strided.gather [spmem:s6], $0x2800, s14, s13, $0x38;
	[tilespmem:$0xA200] =	vst v63  }
0x25: {  	s19 =	simm.s32 $0x0;
	_ =	swait.ge [sflag:s10], $0x2800  }
0x26: {  	s30 =	sand.u32 $0x70, s19;
	s19 =	sand.u32 $0x1C00, s19;
	[sflag:s10] =	ssyncset.done $0x0  }
0x27: {  	s19 =	sor.u32 s30, s19;
	[sflag:s10] =	ssyncadd.s32 $0xFFFFD800  }
0x28: {  	v1 =	vld [tilespmem:s19+$0x5000]  }
0x29: {  	v2 =	vld [tilespmem:s19+$0x4F80];
	_ =	sdelay $0x1  }
0x2a: {  	v3 =	vld [tilespmem:s19+$0x5080];
	_ =	sdelay $0x1  }
0x2b: {  	v4 =	vld [tilespmem:s19+$0x5100]  }
0x2c: {  	v1 =	vadd.f32 v1, v2  }
0x2d: {  	v2 =	vld [tilespmem:s19+$0x5180]  }
0x2e: {  	v1 =	vadd.f32 v3, v1  }
0x2f: {  	v3 =	vld [tilespmem:s19+$0x5200]  }
0x30: {  	v1 =	vadd.f32 v4, v1  }
0x31: {  	v60 =	vld [tilespmem:s19+$0x5280]  }
0x32: {  	v1 =	vadd.f32 v2, v1  }
0x33: {  	v2 =	vld [tilespmem:s19+$0x5300]  }
0x34: {  	v1 =	vadd.f32 v3, v1  }
0x35: {  	v3 =	vld [tilespmem:s19+$0x6380]  }
0x36: {  	v1 =	vadd.f32 v60, v1  }
0x37: {  	v61 =	vld [tilespmem:s19+$0x6400]  }
0x38: {  	v1 =	vadd.f32 v2, v1  }
0x39: {  	v2 =	vld [tilespmem:s19+$0x6480]  }
0x3a: {  	v1 =	vadd.f32 v3, v1  }
0x3b: {  	v3 =	vld [tilespmem:s19+$0x6500]  }
0x3c: {  	v1 =	vadd.f32 v61, v1  }
0x3d: {  	v62 =	vld [tilespmem:s19+$0x6580]  }
0x3e: {  	v1 =	vadd.f32 v2, v1  }
0x3f: {  	v2 =	vld [tilespmem:s19+$0x6600]  }
0x40: {  	v1 =	vadd.f32 v3, v1  }
0x41: {  	v3 =	vld [tilespmem:s19+$0x6680]  }
0x42: {  	v1 =	vadd.f32 v62, v1  }
0x43: {  	v63 =	vld [tilespmem:s19+$0x6700]  }
0x44: {  	v1 =	vadd.f32 v2, v1;
	_ =	sdelay $0x1  }
0x45: {  	v1 =	vadd.f32 v3, v1;
	_ =	sdelay $0x1  }
0x46: {  	s31 =	simm.s32 $0x10;
	s21 =	simm.s32 $0x80;
	v1 =	vadd.f32 v63, v1  }
0x47: {  	s20 =	sand.u32 $0x70, s31;
	s22 =	sand.u32 $0x1C00, s21;
	s19 =	simm.s32 $0x7780  }
0x48: {  	s20 =	sor.u32 s20, s22;
	s22 =	simm.s32 $0x20;
	[tilespmem:s19+$0x0] =	vst v1  }
.LBB2_4:
0x49: {  	p0 =	sne.s32 s22, $0x270;
	v1 =	vld [tilespmem:s20+$0x5000]  }
0x4a: {  	v2 =	vld [tilespmem:s20+$0x4F80];
	_ =	sdelay $0x1  }
0x4b: {  	v3 =	vld [tilespmem:s20+$0x5080];
	_ =	sdelay $0x1  }
0x4c: {  	v4 =	vld [tilespmem:s20+$0x5100]  }
0x4d: {  	v1 =	vadd.f32 v1, v2  }
0x4e: {  	v2 =	vld [tilespmem:s20+$0x5180]  }
0x4f: {  	v1 =	vadd.f32 v3, v1  }
0x50: {  	v3 =	vld [tilespmem:s20+$0x5200]  }
0x51: {  	v1 =	vadd.f32 v4, v1  }
0x52: {  	v4 =	vld [tilespmem:s20+$0x5280]  }
0x53: {  	v1 =	vadd.f32 v2, v1  }
0x54: {  	v2 =	vld [tilespmem:s20+$0x5300]  }
0x55: {  	v1 =	vadd.f32 v3, v1  }
0x56: {  	v3 =	vld [tilespmem:s20+$0x6380]  }
0x57: {  	v1 =	vadd.f32 v4, v1  }
0x58: {  	v4 =	vld [tilespmem:s20+$0x6400]  }
0x59: {  	v1 =	vadd.f32 v2, v1  }
0x5a: {  	v2 =	vld [tilespmem:s20+$0x6480]  }
0x5b: {  	v1 =	vadd.f32 v3, v1  }
0x5c: {  	v3 =	vld [tilespmem:s20+$0x6500]  }
0x5d: {  	v1 =	vadd.f32 v4, v1  }
0x5e: {  	v4 =	vld [tilespmem:s20+$0x6580]  }
0x5f: {  	v1 =	vadd.f32 v2, v1  }
0x60: {  	v2 =	vld [tilespmem:s20+$0x6600]  }
0x61: {  	v1 =	vadd.f32 v3, v1  }
0x62: {  	v3 =	vld [tilespmem:s20+$0x6680]  }
0x63: {  	v1 =	vadd.f32 v4, v1  }
0x64: {  	v4 =	vld [tilespmem:s20+$0x6700]  }
0x65: {  	v1 =	vadd.f32 v2, v1;
	_ =	sdelay $0x1  }
.Ltmp1:
0x66: {  	v1 =	vadd.f32 v3, v1;
	(pc) =	sbr.rel @p0 .LBB2_4-.Ltmp1, $4  }
0x67: {  	_ = 	snop  }
0x68: {  	s21 =	sadd.s32 $0x80, s21;
	v1 =	vadd.f32 v4, v1  }
0x69: {  	s19 =	sadd.s32 $0x10, s19;
	s23 =	sand.u32 $0x1C00, s21;
	s20 =	sand.u32 $0x70, s22  }
0x6a: {  	s22 =	sadd.s32 $0x10, s22;
	s20 =	sor.u32 s20, s23;
	[tilespmem:s19+$0x0] =	vst v1  }
0x6b: {  	v1 =	vld [tilespmem:s20+$0x5000]  }
0x6c: {  	v2 =	vld [tilespmem:s20+$0x4F80];
	_ =	sdelay $0x1  }
0x6d: {  	v3 =	vld [tilespmem:s20+$0x5080];
	_ =	sdelay $0x1  }
0x6e: {  	v4 =	vld [tilespmem:s20+$0x5100]  }
0x6f: {  	v1 =	vadd.f32 v1, v2  }
0x70: {  	v2 =	vld [tilespmem:s20+$0x5180]  }
0x71: {  	v1 =	vadd.f32 v3, v1  }
0x72: {  	v3 =	vld [tilespmem:s20+$0x5200]  }
0x73: {  	v1 =	vadd.f32 v4, v1  }
0x74: {  	v60 =	vld [tilespmem:s20+$0x5280]  }
0x75: {  	v1 =	vadd.f32 v2, v1  }
0x76: {  	v2 =	vld [tilespmem:s20+$0x5300]  }
0x77: {  	v1 =	vadd.f32 v3, v1  }
0x78: {  	v3 =	vld [tilespmem:s20+$0x6380]  }
0x79: {  	v1 =	vadd.f32 v60, v1  }
0x7a: {  	v61 =	vld [tilespmem:s20+$0x6400]  }
0x7b: {  	v1 =	vadd.f32 v2, v1  }
0x7c: {  	v2 =	vld [tilespmem:s20+$0x6480]  }
0x7d: {  	v1 =	vadd.f32 v3, v1  }
0x7e: {  	v3 =	vld [tilespmem:s20+$0x6500]  }
0x7f: {  	v1 =	vadd.f32 v61, v1  }
0x80: {  	v62 =	vld [tilespmem:s20+$0x6580]  }
0x81: {  	v1 =	vadd.f32 v2, v1  }
0x82: {  	v2 =	vld [tilespmem:s20+$0x6600]  }
0x83: {  	v1 =	vadd.f32 v3, v1  }
0x84: {  	v3 =	vld [tilespmem:s20+$0x6680]  }
0x85: {  	v1 =	vadd.f32 v62, v1  }
0x86: {  	v63 =	vld [tilespmem:s20+$0x6700]  }
0x87: {  	v1 =	vadd.f32 v2, v1;
	_ =	sdelay $0x1  }
0x88: {  	v1 =	vadd.f32 v3, v1;
	_ =	sdelay $0x1  }
0x89: {  	s18 =	sadd.s32 $0x1, s18;
	v1 =	vadd.f32 v63, v1  }
0x8a: {  	s19 =	sadd.s32 $0x10, s19;
	p0 =	sne.s32 s18, s8  }
.Ltmp2:
0x8b: {  	[tilespmem:s19+$0x0] =	vst v1;
	(pc) =	sbr.rel @p0 .LBB2_1-.Ltmp2, $4  }
0x8c: {  	[hbm4b:s7+s11] =	stream.strided.scatter [tilespmem:s17], [sflag:$0x1], $0x280, s16, s11, $0x38;
	[tilespmem:$0xA200] =	vst v63  }
0x8d: {  	_ =	swait.ge [sflag:s10], $0x280  }
0x8e: {  	[sflag:s10] =	ssyncset.done $0x0  }
0x8f: {  	[sflag:s10] =	ssyncadd.s32 $0xFFFFFD80  }
0x90: {  	_ =	sfence.sel $0x180000  }
0x91: {  	[bflag:$0x0] =	sbarrier.arrive $0xFFFF  }
0x92: {  	p0 =	sne.s32 s1, $0x0;
	_ =	strace $0x90000047  }
0x93: {  	s0 =	sadd.s32 @!p0 $0x100000, s0;
	[bflag:$0x2] =	sbarrier.arrive $0xFFFF  }
0x94: {  	[sflag:s0] =	ssyncadd.tile.s32 @!p0 $0x1;
	_ =	shalt  }
.Lfunc_end2:
_tile_overlayer_lowered:
.L_overlay_start_2:
0x95: {  	(tag) =	ssettag $0x2  }
0x96: {  	s0 =	rddreg [dreg:$0x0];
	s2 =	stileid.u32  }
0x97: {  	s1 =	rddreg [dreg:$0x1];
	p0 =	sne.s32 s2, $0x0  }
0x98: {  	s3 =	rddreg [dreg:$0x2];
	[bflag:$0x3] =	sbarrier.arrive $0xFFFF;
	s2 =	simm.s32 @!p0 $0x1C01  }
0x99: {  	[timem:s3], [sflag:s2] =	dma.local @!p0 [hbm:s0], s1  }
0x9a: {  	s0 =	simm.s32 @!p0 $0x1  }
0x9b: {  	_ =	swait.ge @!p0 [sflag:s0], s1  }
0x9c: {  	s1 =	ssub.s32 @!p0 $0x0, s1;
	[sflag:s0] =	ssyncset.done @!p0 $0x0  }
0x9d: {  	[sflag:s0] =	ssyncadd.s32 @!p0 s1  }
0x9e: {  	[bflag:$0x3] =	sbarrier.arrive $0xFFFF  }
0x9f: {  	_ =	shalt  }

</sc_bundles>
